<compile_context>
chip_gen: v7x
topology: tpu7x:2x2x1
jax: 0.10.2.dev20260603
libtpu: 0.0.44.dev20260713+nightly
codegen_flags: <defaults>
</compile_context>

<pallas_src>
import functools

import numpy as np
import jax
import jax.numpy as jnp
from jax import lax
from jax.experimental import pallas as pl
from jax.experimental.pallas import tpu as pltpu
from jax.experimental.pallas import tpu_sc as plsc

N = 10000
E = 320000
C = 128
NUM_LAYERS = 4
ALPHA = 0.1
THETA = 0.5

NC = 2
NS = 16
NW = NC * NS
CHUNK = 128
NCHUNK = 80
NHALF = NCHUNK // 2
E_PAD = NW * NCHUNK * CHUNK
ROWS_PER_SUB = ((N // NS) // 8 + 2) * 8
ACC_ROWS = ROWS_PER_SUB * NS
DUMMY = N

BLK = 1000
GRID = N // BLK

_mesh = plsc.VectorSubcoreMesh(core_axis_name="c", subcore_axis_name="s")



NCHPW = NCHUNK
K0 = 104
K1 = 2 * NCHPW - K0
NCH_TOT = NW * NCHUNK
CH0 = NS * K0


def _make_sc_edge(k0):
    k1 = 2 * NCHPW - k0
    ch0 = NS * k0

    def body(g_hbm, src_hbm, dst_hbm, zeros_hbm, out_hbm,
             idx_s, idx_d, gbuf0, acc, semg0):
        cid = lax.axis_index("c")
        sid = lax.axis_index("s")
        r0 = sid * ROWS_PER_SUB
        pltpu.sync_copy(zeros_hbm, acc.at[pl.ds(r0, ROWS_PER_SUB)])
        start = jnp.where(cid == 0, sid * k0, ch0 + sid * k1)
        cnt = jnp.where(cid == 0, k0, k1)
        pltpu.sync_copy(src_hbm.at[pl.ds(start, k0)], idx_s)
        pltpu.sync_copy(dst_hbm.at[pl.ds(start, k0)], idx_d)
        plsc.subcore_barrier()

        @pl.loop(0, cnt)
        def _(j):
            pltpu.async_copy(g_hbm.at[idx_s.at[j]], gbuf0, semg0).wait()
            pltpu.sync_copy(gbuf0, acc.at[idx_d.at[j]], add=True)

        plsc.subcore_barrier()
        pltpu.sync_copy(acc.at[pl.ds(r0, ROWS_PER_SUB)],
                        out_hbm.at[pl.ds(cid * ACC_ROWS + r0, ROWS_PER_SUB)])

    return pl.kernel(
        body,
        out_type=jax.ShapeDtypeStruct((NC * ACC_ROWS, C), jnp.float32),
        mesh=_mesh,
        scratch_types=[
            pltpu.VMEM((k0, CHUNK), jnp.int32),
            pltpu.VMEM((k0, CHUNK), jnp.int32),
            pltpu.VMEM((CHUNK, C), jnp.float32),
            pltpu.VMEM_SHARED((ACC_ROWS, C), jnp.float32),
            pltpu.SemaphoreType.DMA,
        ],
    )


_sc_edge = _make_sc_edge(K0)


def _sc_deg_body(dst_hbm, ones_hbm, zeros_hbm, out_hbm,
                 idx_d, ones_v, acc, sem):
    cid = lax.axis_index("c")
    sid = lax.axis_index("s")
    wid = sid * NC + cid
    r0 = sid * ROWS_PER_SUB
    pltpu.sync_copy(zeros_hbm, acc.at[pl.ds(r0, ROWS_PER_SUB)])
    pltpu.sync_copy(ones_hbm, ones_v)
    plsc.subcore_barrier()

    for stage in range(NCHUNK // NHALF):
        base = wid * NCHUNK + stage * NHALF
        pltpu.sync_copy(dst_hbm.at[pl.ds(base, NHALF)], idx_d)

        @pl.loop(0, NHALF)
        def _(j):
            pltpu.sync_copy(ones_v, acc.at[idx_d.at[j]], add=True)

    plsc.subcore_barrier()
    pltpu.sync_copy(acc.at[pl.ds(r0, ROWS_PER_SUB)],
                    out_hbm.at[pl.ds(cid * ACC_ROWS + r0, ROWS_PER_SUB)])


_sc_deg = pl.kernel(
    _sc_deg_body,
    out_type=jax.ShapeDtypeStruct((NC * ACC_ROWS, C), jnp.float32),
    mesh=_mesh,
    scratch_types=[
        pltpu.VMEM((NHALF, CHUNK), jnp.int32),
        pltpu.VMEM((CHUNK, C), jnp.float32),
        pltpu.VMEM_SHARED((ACC_ROWS, C), jnp.float32),
        pltpu.SemaphoreType.DMA,
    ],
)



def _tc_proj_body(x_ref, w_ref, b_ref, o_ref):
    o_ref[...] = (
        jnp.dot(x_ref[...], w_ref[...], precision=lax.Precision.HIGHEST,
                preferred_element_type=jnp.float32)
        + b_ref[...]
    )


_tc_proj = pl.pallas_call(
    _tc_proj_body,
    grid=(GRID,),
    in_specs=[
        pl.BlockSpec((BLK, C), lambda i: (i, 0)),
        pl.BlockSpec((C, C), lambda i: (0, 0)),
        pl.BlockSpec((1, C), lambda i: (0, 0)),
    ],
    out_specs=pl.BlockSpec((BLK, C), lambda i: (i, 0)),
    out_shape=jax.ShapeDtypeStruct((N, C), jnp.float32),
)


def _tc_prep_body(d0_ref, d1_ref, x0_ref, dinv_ref, g0_ref):
    deg = d0_ref[:, 0:1] + d1_ref[:, 0:1] + 1.0
    dinv = lax.rsqrt(deg)
    dinv_b = jnp.broadcast_to(dinv, (BLK, C))
    dinv_ref[...] = dinv_b
    g0_ref[...] = x0_ref[...] * dinv_b


_tc_prep = pl.pallas_call(
    _tc_prep_body,
    grid=(GRID,),
    in_specs=[
        pl.BlockSpec((BLK, C), lambda i: (i, 0)),
        pl.BlockSpec((BLK, C), lambda i: (i, 0)),
        pl.BlockSpec((BLK, C), lambda i: (i, 0)),
    ],
    out_specs=[
        pl.BlockSpec((BLK, C), lambda i: (i, 0)),
        pl.BlockSpec((BLK, C), lambda i: (i, 0)),
    ],
    out_shape=[
        jax.ShapeDtypeStruct((N, C), jnp.float32),
        jax.ShapeDtypeStruct((N, C), jnp.float32),
    ],
)


def _tc_layer_body(s0_ref, s1_ref, g_ref, x0_ref, dinv_ref, w_ref, o_ref,
                   *, beta, last):
    dinv = dinv_ref[...]
    agg = dinv * (s0_ref[...] + s1_ref[...] + g_ref[...])
    hh = agg * (1.0 - ALPHA) + ALPHA * x0_ref[...]
    mm = jnp.dot(hh, w_ref[...], precision=lax.Precision.HIGHEST,
                 preferred_element_type=jnp.float32)
    h = (1.0 - beta) * hh + beta * mm
    if last:
        o_ref[...] = h
    else:
        o_ref[...] = jnp.maximum(h, 0.0) * dinv


def _make_tc_layer(beta, last):
    return pl.pallas_call(
        functools.partial(_tc_layer_body, beta=beta, last=last),
        grid=(GRID,),
        in_specs=[
            pl.BlockSpec((BLK, C), lambda i: (i, 0)),
            pl.BlockSpec((BLK, C), lambda i: (i, 0)),
            pl.BlockSpec((BLK, C), lambda i: (i, 0)),
            pl.BlockSpec((BLK, C), lambda i: (i, 0)),
            pl.BlockSpec((BLK, C), lambda i: (i, 0)),
            pl.BlockSpec((C, C), lambda i: (0, 0)),
        ],
        out_specs=pl.BlockSpec((BLK, C), lambda i: (i, 0)),
        out_shape=jax.ShapeDtypeStruct((N, C), jnp.float32),
    )


_tc_layers = [
    _make_tc_layer(float(np.log(THETA / (l + 1) + 1.0)), l == NUM_LAYERS - 1)
    for l in range(NUM_LAYERS)
]



def kernel(x, edge_index, W_proj, b_proj, W_convs):
    src = edge_index[0].astype(jnp.int32)
    dst = edge_index[1].astype(jnp.int32)
    pad = E_PAD - E + K0 * CHUNK
    srcp = jnp.concatenate([src, jnp.zeros((pad,), jnp.int32)])
    dstp = jnp.concatenate([dst, jnp.full((pad,), DUMMY, jnp.int32)])
    srcp = srcp.reshape(NW * NCHUNK + K0, CHUNK)
    dstp = dstp.reshape(NW * NCHUNK + K0, CHUNK)

    zeros_c = jnp.zeros((ROWS_PER_SUB, C), jnp.float32)
    ones_c = jnp.ones((CHUNK, C), jnp.float32)

    degp = _sc_deg(dstp, ones_c, zeros_c)
    d0 = degp[:N]
    d1 = degp[ACC_ROWS:ACC_ROWS + N]

    x0 = _tc_proj(x, W_proj, b_proj.reshape(1, C))
    dinv, g = _tc_prep(d0, d1, x0)

    for l in range(NUM_LAYERS):
        s = _sc_edge(g, srcp, dstp, zeros_c)
        g = _tc_layers[l](s[:N], s[ACC_ROWS:ACC_ROWS + N], g, x0, dinv,
                          W_convs[l])
    return g

# --- scband reference (transcript-rebuilt; emitter-appended) ---
"""Pipeline reference for scband-gs-40080634806827 (READ-ONLY COPY).

The authoritative reference and input builder live on the scoring server;
editing this copy changes nothing except your own understanding.
"""

import jax, jax.numpy as jnp
import numpy as np

N = 10000
E = 320000
IN_C = 128
HID_C = 128
NUM_LAYERS = 4
ALPHA = 0.1
THETA = 0.5


def setup_inputs(seed: int = 0) -> dict:
    key = jax.random.key(seed)
    k1, k2, k3, k4, k5 = jax.random.split(key, 5)
    x = jax.random.normal(k1, (N, IN_C), dtype=jnp.float32)
    edge_index = jax.random.randint(k2, (2, E), 0, N)
    W_proj = jax.random.normal(k3, (IN_C, HID_C), dtype=jnp.float32) * 0.05
    b_proj = jnp.zeros((HID_C,), dtype=jnp.float32)
    W_convs = jax.random.normal(k4, (NUM_LAYERS, HID_C, HID_C), dtype=jnp.float32) * 0.05
    return {"x": x, "edge_index": edge_index, "W_proj": W_proj, "b_proj": b_proj, "W_convs": W_convs}


def reference(x, edge_index, W_proj, b_proj, W_convs):
    n = x.shape[0]
    # gcn_norm with add_self_loops=True: A_hat = D^{-1/2} (A + I) D^{-1/2}
    loop = jnp.arange(n, dtype=edge_index.dtype)
    src = jnp.concatenate([edge_index[0], loop])
    dst = jnp.concatenate([edge_index[1], loop])
    deg = jax.ops.segment_sum(jnp.ones(src.shape[0], dtype=jnp.float32), dst, num_segments=n)
    dinv = jnp.where(deg > 0, jax.lax.rsqrt(deg), 0.0)
    norm = dinv[src] * dinv[dst]

    # proj: nn.Linear(in_c, hid_c)
    x0 = x @ W_proj + b_proj
    h = x0
    L = W_convs.shape[0]
    for l in range(L):
        # propagate: normalized scatter-add message passing
        msgs = h[src] * norm[:, None]
        agg = jax.ops.segment_sum(msgs, dst, num_segments=n)
        # GCN2Conv (shared_weights=True):
        # out = (1-alpha)*P h + alpha*x0; out = (1-beta)*out + beta*(out @ W)
        hh = agg * (1.0 - ALPHA) + ALPHA * x0
        beta = float(np.log(THETA / (l + 1) + 1.0))
        h = (1.0 - beta) * hh + beta * (hh @ W_convs[l])
        if l != L - 1:
            h = jax.nn.relu(h)
            # dropout is identity in eval mode
    return h

if __name__ == "__main__":
    import jax
    _d = setup_inputs()
    print(jax.jit(kernel)(*tuple(_d.values())))

</pallas_src>

<mosaic_0001>
#map = affine_map<(d0, d1) -> (0, 0)>
module attributes {stable_mosaic.version = 14 : i64} {
  func.func @body(%arg0: i32, %arg1: i32, %arg2: memref<10000x128xf32, #tpu.memory_space<hbm>>, %arg3: memref<2664x128xi32, #tpu.memory_space<hbm>>, %arg4: memref<2664x128xi32, #tpu.memory_space<hbm>>, %arg5: memref<640x128xf32, #tpu.memory_space<hbm>>, %arg6: memref<20480x128xf32, #tpu.memory_space<hbm>>, %arg7: memref<104x128xi32, #tpu.memory_space<vmem>>, %arg8: memref<104x128xi32, #tpu.memory_space<vmem>>, %arg9: memref<128x128xf32, #tpu.memory_space<vmem>>, %arg10: memref<10240x128xf32, #tpu.memory_space<vmem_shared>>, %arg11: memref<!tpu.dma_semaphore, #tpu.memory_space<semaphore_mem>>) attributes {dimension_semantics = [#tpu.dimension_semantics<core_parallel>, #tpu.dimension_semantics<subcore_parallel>], iteration_bounds = array<i64: 2, 16>, scalar_prefetch = 0 : i64, scratch_operands = 5 : i64, tpu.core_type = #tpu.core_type<sc_vector_subcore>, window_params = [{transform_indices = #map}, {transform_indices = #map}, {transform_indices = #map}, {transform_indices = #map}, {transform_indices = #map}]} {
    %mul3A = arith.constant 640 : i32
    %mul3A_0 = arith.muli %arg1, %mul3A : i32
    "tpu.region"() ({
      %run_scoped3A = tpu.sem_alloc : memref<!tpu.dma_semaphore, #tpu.memory_space<semaphore_mem>>
      %dma_start3A = arith.constant 0 : i32
      %dma_start3A_31 = tpu.memref_slice %arg10[%mul3A_0, %dma_start3A] : memref<10240x128xf32, #tpu.memory_space<vmem_shared>> -> memref<640x128xf32, #tpu.memory_space<vmem_shared>>
      tpu.enqueue_dma source(%arg5 : memref<640x128xf32, #tpu.memory_space<hbm>>) target(%dma_start3A_31 : memref<640x128xf32, #tpu.memory_space<vmem_shared>>) target_semaphore(%run_scoped3A : memref<!tpu.dma_semaphore, #tpu.memory_space<semaphore_mem>>)
      %dma_wait3A = arith.constant 0 : i32
      %dma_wait3A_32 = tpu.memref_slice %arg10[%mul3A_0, %dma_wait3A] : memref<10240x128xf32, #tpu.memory_space<vmem_shared>> -> memref<640x128xf32, #tpu.memory_space<vmem_shared>>
      tpu.wait_dma2 semaphore(%run_scoped3A : memref<!tpu.dma_semaphore, #tpu.memory_space<semaphore_mem>>) src(%arg5 : memref<640x128xf32, #tpu.memory_space<hbm>>) dst(%dma_wait3A_32 : memref<640x128xf32, #tpu.memory_space<vmem_shared>>)
      tpu.yield
    }) : () -> ()
    %eq3A = arith.constant 0 : i32
    %eq3A_1 = arith.cmpi eq, %arg0, %eq3A : i32
    %mul3A_2 = arith.constant 104 : i32
    %mul3A_3 = arith.muli %arg1, %mul3A_2 : i32
    %mul3A_4 = arith.constant 56 : i32
    %mul3A_5 = arith.muli %arg1, %mul3A_4 : i32
    %add3A = arith.constant 1664 : i32
    %add3A_6 = arith.addi %add3A, %mul3A_5 : i32
    %select_n3A = arith.select %eq3A_1, %mul3A_3, %add3A_6 : i32
    %eq3A_7 = arith.constant 0 : i32
    %eq3A_8 = arith.cmpi eq, %arg0, %eq3A_7 : i32
    %jit3A = arith.constant 104 : i32
    %jit3A_9 = arith.constant 56 : i32
    %select_n3A_10 = arith.select %eq3A_8, %jit3A, %jit3A_9 : i32
    "tpu.region"() ({
      %run_scoped3A = tpu.sem_alloc : memref<!tpu.dma_semaphore, #tpu.memory_space<semaphore_mem>>
      %dma_start3A = arith.constant 0 : i32
      %dma_start3A_31 = tpu.memref_slice %arg3[%select_n3A, %dma_start3A] : memref<2664x128xi32, #tpu.memory_space<hbm>> -> memref<104x128xi32, #tpu.memory_space<hbm>>
      %dma_start3A_32 = arith.constant 0 : i32
      %dma_start3A_33 = tpu.memref_slice %arg3[%select_n3A, %dma_start3A_32] : memref<2664x128xi32, #tpu.memory_space<hbm>> -> memref<104x128xi32, #tpu.memory_space<hbm>>
      tpu.enqueue_dma source(%dma_start3A_33 : memref<104x128xi32, #tpu.memory_space<hbm>>) target(%arg7 : memref<104x128xi32, #tpu.memory_space<vmem>>) target_semaphore(%run_scoped3A : memref<!tpu.dma_semaphore, #tpu.memory_space<semaphore_mem>>)
      %dma_wait3A = arith.constant 0 : i32
      %dma_wait3A_34 = tpu.memref_slice %arg3[%select_n3A, %dma_wait3A] : memref<2664x128xi32, #tpu.memory_space<hbm>> -> memref<104x128xi32, #tpu.memory_space<hbm>>
      %dma_wait3A_35 = arith.constant 0 : i32
      %dma_wait3A_36 = tpu.memref_slice %arg3[%select_n3A, %dma_wait3A_35] : memref<2664x128xi32, #tpu.memory_space<hbm>> -> memref<104x128xi32, #tpu.memory_space<hbm>>
      tpu.wait_dma2 semaphore(%run_scoped3A : memref<!tpu.dma_semaphore, #tpu.memory_space<semaphore_mem>>) src(%dma_wait3A_36 : memref<104x128xi32, #tpu.memory_space<hbm>>) dst(%arg7 : memref<104x128xi32, #tpu.memory_space<vmem>>)
      tpu.yield
    }) : () -> ()
    "tpu.region"() ({
      %run_scoped3A = tpu.sem_alloc : memref<!tpu.dma_semaphore, #tpu.memory_space<semaphore_mem>>
      %dma_start3A = arith.constant 0 : i32
      %dma_start3A_31 = tpu.memref_slice %arg4[%select_n3A, %dma_start3A] : memref<2664x128xi32, #tpu.memory_space<hbm>> -> memref<104x128xi32, #tpu.memory_space<hbm>>
      %dma_start3A_32 = arith.constant 0 : i32
      %dma_start3A_33 = tpu.memref_slice %arg4[%select_n3A, %dma_start3A_32] : memref<2664x128xi32, #tpu.memory_space<hbm>> -> memref<104x128xi32, #tpu.memory_space<hbm>>
      tpu.enqueue_dma source(%dma_start3A_33 : memref<104x128xi32, #tpu.memory_space<hbm>>) target(%arg8 : memref<104x128xi32, #tpu.memory_space<vmem>>) target_semaphore(%run_scoped3A : memref<!tpu.dma_semaphore, #tpu.memory_space<semaphore_mem>>)
      %dma_wait3A = arith.constant 0 : i32
      %dma_wait3A_34 = tpu.memref_slice %arg4[%select_n3A, %dma_wait3A] : memref<2664x128xi32, #tpu.memory_space<hbm>> -> memref<104x128xi32, #tpu.memory_space<hbm>>
      %dma_wait3A_35 = arith.constant 0 : i32
      %dma_wait3A_36 = tpu.memref_slice %arg4[%select_n3A, %dma_wait3A_35] : memref<2664x128xi32, #tpu.memory_space<hbm>> -> memref<104x128xi32, #tpu.memory_space<hbm>>
      tpu.wait_dma2 semaphore(%run_scoped3A : memref<!tpu.dma_semaphore, #tpu.memory_space<semaphore_mem>>) src(%dma_wait3A_36 : memref<104x128xi32, #tpu.memory_space<hbm>>) dst(%arg8 : memref<104x128xi32, #tpu.memory_space<vmem>>)
      tpu.yield
    }) : () -> ()
    %barrier3A = arith.constant 0 : index
    tpu.barrier barrier_id(%barrier3A)
    %sub3A = arith.constant 0 : i32
    %sub3A_11 = arith.subi %select_n3A_10, %sub3A : i32
    %sub3A_12 = arith.constant 1 : i32
    %sub3A_13 = arith.constant 1 : i32
    %sub3A_14 = arith.subi %sub3A_12, %sub3A_13 : i32
    %add3A_15 = arith.addi %sub3A_11, %sub3A_14 : i32
    %div3A = arith.constant 1 : i32
    %div3A_16 = arith.divsi %add3A_15, %div3A : i32
    %while3A = arith.constant 1 : i32
    %while3A_17 = arith.constant 0 : i32
    %while3A_18 = arith.constant 0 : i32
    %while3A_19 = arith.subi %div3A_16, %while3A_18 : i32
    %while3A_20 = arith.addi %while3A_18, %while3A_19 : i32
    %while3A_21 = arith.constant 1 : i32
    %while3A_22 = arith.divsi %while3A_19, %while3A_21 : i32
    %while3A_23 = arith.muli %while3A_22, %while3A_21 : i32
    %while3A_24 = arith.addi %while3A_18, %while3A_23 : i32
    %while3A_25 = arith.constant 1 : i32
    scf.for %while3A_31 = %while3A_18 to %while3A_24 step %while3A_25  : i32 {
      %mul3A_32 = arith.muli %while3A_31, %while3A : i32
      %add3A_33 = arith.addi %while3A_17, %mul3A_32 : i32
      %dma_start3A = arith.constant 0 : i32
      %dma_start3A_34 = tpu.memref_slice %arg7[%add3A_33, %dma_start3A] : memref<104x128xi32, #tpu.memory_space<vmem>> -> memref<1x128xi32, #tpu.memory_space<vmem>>
      %dma_start3A_35 = tpu.memref_squeeze %dma_start3A_34 : memref<1x128xi32, #tpu.memory_space<vmem>> -> memref<128xi32, #tpu.memory_space<vmem>>
      %dma_start3A_36 = arith.constant 0 : i32
      %dma_start3A_37 = arith.constant 0 : i32
      %dma_start3A_38 = tpu.memref_slice %arg2[%dma_start3A_36, %dma_start3A_37] : memref<10000x128xf32, #tpu.memory_space<hbm>> -> memref<10000x128xf32, #tpu.memory_space<hbm>>
      tpu.enqueue_indirect_dma source(%dma_start3A_38 : memref<10000x128xf32, #tpu.memory_space<hbm>>) target(%arg9 : memref<128x128xf32, #tpu.memory_space<vmem>>) offsets(%dma_start3A_35 : memref<128xi32, #tpu.memory_space<vmem>>) semaphore(%arg11 : memref<!tpu.dma_semaphore, #tpu.memory_space<semaphore_mem>>)
      %dma_wait3A = arith.constant 0 : i32
      %dma_wait3A_39 = tpu.memref_slice %arg7[%add3A_33, %dma_wait3A] : memref<104x128xi32, #tpu.memory_space<vmem>> -> memref<1x128xi32, #tpu.memory_space<vmem>>
      %dma_wait3A_40 = tpu.memref_squeeze %dma_wait3A_39 : memref<1x128xi32, #tpu.memory_space<vmem>> -> memref<128xi32, #tpu.memory_space<vmem>>
      %dma_wait3A_41 = arith.constant 0 : i32
      %dma_wait3A_42 = arith.constant 0 : i32
      %dma_wait3A_43 = tpu.memref_slice %arg2[%dma_wait3A_41, %dma_wait3A_42] : memref<10000x128xf32, #tpu.memory_space<hbm>> -> memref<10000x128xf32, #tpu.memory_space<hbm>>
      tpu.wait_indirect_dma semaphore(%arg11 : memref<!tpu.dma_semaphore, #tpu.memory_space<semaphore_mem>>) src(%dma_wait3A_43 : memref<10000x128xf32, #tpu.memory_space<hbm>>) dst(%arg9 : memref<128x128xf32, #tpu.memory_space<vmem>>)
      "tpu.region"() ({
        %run_scoped3A = tpu.sem_alloc : memref<!tpu.dma_semaphore, #tpu.memory_space<semaphore_mem>>
        %dma_start3A_44 = arith.constant 0 : i32
        %dma_start3A_45 = tpu.memref_slice %arg8[%add3A_33, %dma_start3A_44] : memref<104x128xi32, #tpu.memory_space<vmem>> -> memref<1x128xi32, #tpu.memory_space<vmem>>
        %dma_start3A_46 = tpu.memref_squeeze %dma_start3A_45 : memref<1x128xi32, #tpu.memory_space<vmem>> -> memref<128xi32, #tpu.memory_space<vmem>>
        %dma_start3A_47 = arith.constant 0 : i32
        %dma_start3A_48 = arith.constant 0 : i32
        %dma_start3A_49 = tpu.memref_slice %arg10[%dma_start3A_47, %dma_start3A_48] : memref<10240x128xf32, #tpu.memory_space<vmem_shared>> -> memref<10240x128xf32, #tpu.memory_space<vmem_shared>>
        tpu.enqueue_indirect_dma source(%arg9 : memref<128x128xf32, #tpu.memory_space<vmem>>) target(%dma_start3A_49 : memref<10240x128xf32, #tpu.memory_space<vmem_shared>>) offsets(%dma_start3A_46 : memref<128xi32, #tpu.memory_space<vmem>>) semaphore(%run_scoped3A : memref<!tpu.dma_semaphore, #tpu.memory_space<semaphore_mem>>) {add = true}
        %dma_wait3A_50 = arith.constant 0 : i32
        %dma_wait3A_51 = tpu.memref_slice %arg8[%add3A_33, %dma_wait3A_50] : memref<104x128xi32, #tpu.memory_space<vmem>> -> memref<1x128xi32, #tpu.memory_space<vmem>>
        %dma_wait3A_52 = tpu.memref_squeeze %dma_wait3A_51 : memref<1x128xi32, #tpu.memory_space<vmem>> -> memref<128xi32, #tpu.memory_space<vmem>>
        %dma_wait3A_53 = arith.constant 0 : i32
        %dma_wait3A_54 = arith.constant 0 : i32
        %dma_wait3A_55 = tpu.memref_slice %arg10[%dma_wait3A_53, %dma_wait3A_54] : memref<10240x128xf32, #tpu.memory_space<vmem_shared>> -> memref<10240x128xf32, #tpu.memory_space<vmem_shared>>
        tpu.wait_indirect_dma semaphore(%run_scoped3A : memref<!tpu.dma_semaphore, #tpu.memory_space<semaphore_mem>>) src(%arg9 : memref<128x128xf32, #tpu.memory_space<vmem>>) dst(%dma_wait3A_55 : memref<10240x128xf32, #tpu.memory_space<vmem_shared>>)
        tpu.yield
      }) : () -> ()
    }
    %while3A_26 = arith.constant 1 : i32
    scf.for %while3A_31 = %while3A_24 to %while3A_20 step %while3A_26  : i32 {
      %mul3A_32 = arith.muli %while3A_31, %while3A : i32
      %add3A_33 = arith.addi %while3A_17, %mul3A_32 : i32
      %dma_start3A = arith.constant 0 : i32
      %dma_start3A_34 = tpu.memref_slice %arg7[%add3A_33, %dma_start3A] : memref<104x128xi32, #tpu.memory_space<vmem>> -> memref<1x128xi32, #tpu.memory_space<vmem>>
      %dma_start3A_35 = tpu.memref_squeeze %dma_start3A_34 : memref<1x128xi32, #tpu.memory_space<vmem>> -> memref<128xi32, #tpu.memory_space<vmem>>
      %dma_start3A_36 = arith.constant 0 : i32
      %dma_start3A_37 = arith.constant 0 : i32
      %dma_start3A_38 = tpu.memref_slice %arg2[%dma_start3A_36, %dma_start3A_37] : memref<10000x128xf32, #tpu.memory_space<hbm>> -> memref<10000x128xf32, #tpu.memory_space<hbm>>
      tpu.enqueue_indirect_dma source(%dma_start3A_38 : memref<10000x128xf32, #tpu.memory_space<hbm>>) target(%arg9 : memref<128x128xf32, #tpu.memory_space<vmem>>) offsets(%dma_start3A_35 : memref<128xi32, #tpu.memory_space<vmem>>) semaphore(%arg11 : memref<!tpu.dma_semaphore, #tpu.memory_space<semaphore_mem>>)
      %dma_wait3A = arith.constant 0 : i32
      %dma_wait3A_39 = tpu.memref_slice %arg7[%add3A_33, %dma_wait3A] : memref<104x128xi32, #tpu.memory_space<vmem>> -> memref<1x128xi32, #tpu.memory_space<vmem>>
      %dma_wait3A_40 = tpu.memref_squeeze %dma_wait3A_39 : memref<1x128xi32, #tpu.memory_space<vmem>> -> memref<128xi32, #tpu.memory_space<vmem>>
      %dma_wait3A_41 = arith.constant 0 : i32
      %dma_wait3A_42 = arith.constant 0 : i32
      %dma_wait3A_43 = tpu.memref_slice %arg2[%dma_wait3A_41, %dma_wait3A_42] : memref<10000x128xf32, #tpu.memory_space<hbm>> -> memref<10000x128xf32, #tpu.memory_space<hbm>>
      tpu.wait_indirect_dma semaphore(%arg11 : memref<!tpu.dma_semaphore, #tpu.memory_space<semaphore_mem>>) src(%dma_wait3A_43 : memref<10000x128xf32, #tpu.memory_space<hbm>>) dst(%arg9 : memref<128x128xf32, #tpu.memory_space<vmem>>)
      "tpu.region"() ({
        %run_scoped3A = tpu.sem_alloc : memref<!tpu.dma_semaphore, #tpu.memory_space<semaphore_mem>>
        %dma_start3A_44 = arith.constant 0 : i32
        %dma_start3A_45 = tpu.memref_slice %arg8[%add3A_33, %dma_start3A_44] : memref<104x128xi32, #tpu.memory_space<vmem>> -> memref<1x128xi32, #tpu.memory_space<vmem>>
        %dma_start3A_46 = tpu.memref_squeeze %dma_start3A_45 : memref<1x128xi32, #tpu.memory_space<vmem>> -> memref<128xi32, #tpu.memory_space<vmem>>
        %dma_start3A_47 = arith.constant 0 : i32
        %dma_start3A_48 = arith.constant 0 : i32
        %dma_start3A_49 = tpu.memref_slice %arg10[%dma_start3A_47, %dma_start3A_48] : memref<10240x128xf32, #tpu.memory_space<vmem_shared>> -> memref<10240x128xf32, #tpu.memory_space<vmem_shared>>
        tpu.enqueue_indirect_dma source(%arg9 : memref<128x128xf32, #tpu.memory_space<vmem>>) target(%dma_start3A_49 : memref<10240x128xf32, #tpu.memory_space<vmem_shared>>) offsets(%dma_start3A_46 : memref<128xi32, #tpu.memory_space<vmem>>) semaphore(%run_scoped3A : memref<!tpu.dma_semaphore, #tpu.memory_space<semaphore_mem>>) {add = true}
        %dma_wait3A_50 = arith.constant 0 : i32
        %dma_wait3A_51 = tpu.memref_slice %arg8[%add3A_33, %dma_wait3A_50] : memref<104x128xi32, #tpu.memory_space<vmem>> -> memref<1x128xi32, #tpu.memory_space<vmem>>
        %dma_wait3A_52 = tpu.memref_squeeze %dma_wait3A_51 : memref<1x128xi32, #tpu.memory_space<vmem>> -> memref<128xi32, #tpu.memory_space<vmem>>
        %dma_wait3A_53 = arith.constant 0 : i32
        %dma_wait3A_54 = arith.constant 0 : i32
        %dma_wait3A_55 = tpu.memref_slice %arg10[%dma_wait3A_53, %dma_wait3A_54] : memref<10240x128xf32, #tpu.memory_space<vmem_shared>> -> memref<10240x128xf32, #tpu.memory_space<vmem_shared>>
        tpu.wait_indirect_dma semaphore(%run_scoped3A : memref<!tpu.dma_semaphore, #tpu.memory_space<semaphore_mem>>) src(%arg9 : memref<128x128xf32, #tpu.memory_space<vmem>>) dst(%dma_wait3A_55 : memref<10240x128xf32, #tpu.memory_space<vmem_shared>>)
        tpu.yield
      }) : () -> ()
    }
    %barrier3A_27 = arith.constant 0 : index
    tpu.barrier barrier_id(%barrier3A_27)
    %mul3A_28 = arith.constant 10240 : i32
    %mul3A_29 = arith.muli %arg0, %mul3A_28 : i32
    %add3A_30 = arith.addi %mul3A_29, %mul3A_0 : i32
    "tpu.region"() ({
      %run_scoped3A = tpu.sem_alloc : memref<!tpu.dma_semaphore, #tpu.memory_space<semaphore_mem>>
      %dma_start3A = arith.constant 0 : i32
      %dma_start3A_31 = tpu.memref_slice %arg6[%add3A_30, %dma_start3A] : memref<20480x128xf32, #tpu.memory_space<hbm>> -> memref<640x128xf32, #tpu.memory_space<hbm>>
      %dma_start3A_32 = arith.constant 0 : i32
      %dma_start3A_33 = tpu.memref_slice %arg10[%mul3A_0, %dma_start3A_32] : memref<10240x128xf32, #tpu.memory_space<vmem_shared>> -> memref<640x128xf32, #tpu.memory_space<vmem_shared>>
      tpu.enqueue_dma source(%dma_start3A_33 : memref<640x128xf32, #tpu.memory_space<vmem_shared>>) target(%dma_start3A_31 : memref<640x128xf32, #tpu.memory_space<hbm>>) target_semaphore(%run_scoped3A : memref<!tpu.dma_semaphore, #tpu.memory_space<semaphore_mem>>)
      %dma_wait3A = arith.constant 0 : i32
      %dma_wait3A_34 = tpu.memref_slice %arg6[%add3A_30, %dma_wait3A] : memref<20480x128xf32, #tpu.memory_space<hbm>> -> memref<640x128xf32, #tpu.memory_space<hbm>>
      %dma_wait3A_35 = arith.constant 0 : i32
      %dma_wait3A_36 = tpu.memref_slice %arg10[%mul3A_0, %dma_wait3A_35] : memref<10240x128xf32, #tpu.memory_space<vmem_shared>> -> memref<640x128xf32, #tpu.memory_space<vmem_shared>>
      tpu.wait_dma2 semaphore(%run_scoped3A : memref<!tpu.dma_semaphore, #tpu.memory_space<semaphore_mem>>) src(%dma_wait3A_36 : memref<640x128xf32, #tpu.memory_space<vmem_shared>>) dst(%dma_wait3A_34 : memref<640x128xf32, #tpu.memory_space<hbm>>)
      tpu.yield
    }) : () -> ()
    return
  }
}

#map = affine_map<(d0, d1) -> (0, 0)>
module attributes {stable_mosaic.version = 14 : i64} {
  func.func @body(%arg0: i32, %arg1: i32, %arg2: memref<10000x128xf32, #tpu.memory_space<hbm>>, %arg3: memref<2664x128xi32, #tpu.memory_space<hbm>>, %arg4: memref<2664x128xi32, #tpu.memory_space<hbm>>, %arg5: memref<640x128xf32, #tpu.memory_space<hbm>>, %arg6: memref<20480x128xf32, #tpu.memory_space<hbm>>, %arg7: memref<104x128xi32, #tpu.memory_space<vmem>>, %arg8: memref<104x128xi32, #tpu.memory_space<vmem>>, %arg9: memref<128x128xf32, #tpu.memory_space<vmem>>, %arg10: memref<10240x128xf32, #tpu.memory_space<vmem_shared>>, %arg11: memref<!tpu.dma_semaphore, #tpu.memory_space<semaphore_mem>>) attributes {dimension_semantics = [#tpu.dimension_semantics<core_parallel>, #tpu.dimension_semantics<subcore_parallel>], iteration_bounds = array<i64: 2, 16>, scalar_prefetch = 0 : i64, scratch_operands = 5 : i64, tpu.core_type = #tpu.core_type<sc_vector_subcore>, window_params = [{transform_indices = #map}, {transform_indices = #map}, {transform_indices = #map}, {transform_indices = #map}, {transform_indices = #map}]} {
    %mul3A = arith.constant 640 : i32
    %mul3A_0 = arith.muli %arg1, %mul3A : i32
    "tpu.region"() ({
      %run_scoped3A = tpu.sem_alloc : memref<!tpu.dma_semaphore, #tpu.memory_space<semaphore_mem>>
      %dma_start3A = arith.constant 0 : i32
      %dma_start3A_31 = tpu.memref_slice %arg10[%mul3A_0, %dma_start3A] : memref<10240x128xf32, #tpu.memory_space<vmem_shared>> -> memref<640x128xf32, #tpu.memory_space<vmem_shared>>
      tpu.enqueue_dma source(%arg5 : memref<640x128xf32, #tpu.memory_space<hbm>>) target(%dma_start3A_31 : memref<640x128xf32, #tpu.memory_space<vmem_shared>>) target_semaphore(%run_scoped3A : memref<!tpu.dma_semaphore, #tpu.memory_space<semaphore_mem>>)
      %dma_wait3A = arith.constant 0 : i32
      %dma_wait3A_32 = tpu.memref_slice %arg10[%mul3A_0, %dma_wait3A] : memref<10240x128xf32, #tpu.memory_space<vmem_shared>> -> memref<640x128xf32, #tpu.memory_space<vmem_shared>>
      tpu.wait_dma2 semaphore(%run_scoped3A : memref<!tpu.dma_semaphore, #tpu.memory_space<semaphore_mem>>) src(%arg5 : memref<640x128xf32, #tpu.memory_space<hbm>>) dst(%dma_wait3A_32 : memref<640x128xf32, #tpu.memory_space<vmem_shared>>)
      tpu.yield
    }) : () -> ()
    %eq3A = arith.constant 0 : i32
    %eq3A_1 = arith.cmpi eq, %arg0, %eq3A : i32
    %mul3A_2 = arith.constant 104 : i32
    %mul3A_3 = arith.muli %arg1, %mul3A_2 : i32
    %mul3A_4 = arith.constant 56 : i32
    %mul3A_5 = arith.muli %arg1, %mul3A_4 : i32
    %add3A = arith.constant 1664 : i32
    %add3A_6 = arith.addi %add3A, %mul3A_5 : i32
    %select_n3A = arith.select %eq3A_1, %mul3A_3, %add3A_6 : i32
    %eq3A_7 = arith.constant 0 : i32
    %eq3A_8 = arith.cmpi eq, %arg0, %eq3A_7 : i32
    %jit3A = arith.constant 104 : i32
    %jit3A_9 = arith.constant 56 : i32
    %select_n3A_10 = arith.select %eq3A_8, %jit3A, %jit3A_9 : i32
    "tpu.region"() ({
      %run_scoped3A = tpu.sem_alloc : memref<!tpu.dma_semaphore, #tpu.memory_space<semaphore_mem>>
      %dma_start3A = arith.constant 0 : i32
      %dma_start3A_31 = tpu.memref_slice %arg3[%select_n3A, %dma_start3A] : memref<2664x128xi32, #tpu.memory_space<hbm>> -> memref<104x128xi32, #tpu.memory_space<hbm>>
      %dma_start3A_32 = arith.constant 0 : i32
      %dma_start3A_33 = tpu.memref_slice %arg3[%select_n3A, %dma_start3A_32] : memref<2664x128xi32, #tpu.memory_space<hbm>> -> memref<104x128xi32, #tpu.memory_space<hbm>>
      tpu.enqueue_dma source(%dma_start3A_33 : memref<104x128xi32, #tpu.memory_space<hbm>>) target(%arg7 : memref<104x128xi32, #tpu.memory_space<vmem>>) target_semaphore(%run_scoped3A : memref<!tpu.dma_semaphore, #tpu.memory_space<semaphore_mem>>)
      %dma_wait3A = arith.constant 0 : i32
      %dma_wait3A_34 = tpu.memref_slice %arg3[%select_n3A, %dma_wait3A] : memref<2664x128xi32, #tpu.memory_space<hbm>> -> memref<104x128xi32, #tpu.memory_space<hbm>>
      %dma_wait3A_35 = arith.constant 0 : i32
      %dma_wait3A_36 = tpu.memref_slice %arg3[%select_n3A, %dma_wait3A_35] : memref<2664x128xi32, #tpu.memory_space<hbm>> -> memref<104x128xi32, #tpu.memory_space<hbm>>
      tpu.wait_dma2 semaphore(%run_scoped3A : memref<!tpu.dma_semaphore, #tpu.memory_space<semaphore_mem>>) src(%dma_wait3A_36 : memref<104x128xi32, #tpu.memory_space<hbm>>) dst(%arg7 : memref<104x128xi32, #tpu.memory_space<vmem>>)
      tpu.yield
    }) : () -> ()
    "tpu.region"() ({
      %run_scoped3A = tpu.sem_alloc : memref<!tpu.dma_semaphore, #tpu.memory_space<semaphore_mem>>
      %dma_start3A = arith.constant 0 : i32
      %dma_start3A_31 = tpu.memref_slice %arg4[%select_n3A, %dma_start3A] : memref<2664x128xi32, #tpu.memory_space<hbm>> -> memref<104x128xi32, #tpu.memory_space<hbm>>
      %dma_start3A_32 = arith.constant 0 : i32
      %dma_start3A_33 = tpu.memref_slice %arg4[%select_n3A, %dma_start3A_32] : memref<2664x128xi32, #tpu.memory_space<hbm>> -> memref<104x128xi32, #tpu.memory_space<hbm>>
      tpu.enqueue_dma source(%dma_start3A_33 : memref<104x128xi32, #tpu.memory_space<hbm>>) target(%arg8 : memref<104x128xi32, #tpu.memory_space<vmem>>) target_semaphore(%run_scoped3A : memref<!tpu.dma_semaphore, #tpu.memory_space<semaphore_mem>>)
      %dma_wait3A = arith.constant 0 : i32
      %dma_wait3A_34 = tpu.memref_slice %arg4[%select_n3A, %dma_wait3A] : memref<2664x128xi32, #tpu.memory_space<hbm>> -> memref<104x128xi32, #tpu.memory_space<hbm>>
      %dma_wait3A_35 = arith.constant 0 : i32
      %dma_wait3A_36 = tpu.memref_slice %arg4[%select_n3A, %dma_wait3A_35] : memref<2664x128xi32, #tpu.memory_space<hbm>> -> memref<104x128xi32, #tpu.memory_space<hbm>>
      tpu.wait_dma2 semaphore(%run_scoped3A : memref<!tpu.dma_semaphore, #tpu.memory_space<semaphore_mem>>) src(%dma_wait3A_36 : memref<104x128xi32, #tpu.memory_space<hbm>>) dst(%arg8 : memref<104x128xi32, #tpu.memory_space<vmem>>)
      tpu.yield
    }) : () -> ()
    %barrier3A = arith.constant 0 : index
    tpu.barrier barrier_id(%barrier3A)
    %sub3A = arith.constant 0 : i32
    %sub3A_11 = arith.subi %select_n3A_10, %sub3A : i32
    %sub3A_12 = arith.constant 1 : i32
    %sub3A_13 = arith.constant 1 : i32
    %sub3A_14 = arith.subi %sub3A_12, %sub3A_13 : i32
    %add3A_15 = arith.addi %sub3A_11, %sub3A_14 : i32
    %div3A = arith.constant 1 : i32
    %div3A_16 = arith.divsi %add3A_15, %div3A : i32
    %while3A = arith.constant 1 : i32
    %while3A_17 = arith.constant 0 : i32
    %while3A_18 = arith.constant 0 : i32
    %while3A_19 = arith.subi %div3A_16, %while3A_18 : i32
    %while3A_20 = arith.addi %while3A_18, %while3A_19 : i32
    %while3A_21 = arith.constant 1 : i32
    %while3A_22 = arith.divsi %while3A_19, %while3A_21 : i32
    %while3A_23 = arith.muli %while3A_22, %while3A_21 : i32
    %while3A_24 = arith.addi %while3A_18, %while3A_23 : i32
    %while3A_25 = arith.constant 1 : i32
    scf.for %while3A_31 = %while3A_18 to %while3A_24 step %while3A_25  : i32 {
      %mul3A_32 = arith.muli %while3A_31, %while3A : i32
      %add3A_33 = arith.addi %while3A_17, %mul3A_32 : i32
      %dma_start3A = arith.constant 0 : i32
      %dma_start3A_34 = tpu.memref_slice %arg7[%add3A_33, %dma_start3A] : memref<104x128xi32, #tpu.memory_space<vmem>> -> memref<1x128xi32, #tpu.memory_space<vmem>>
      %dma_start3A_35 = tpu.memref_squeeze %dma_start3A_34 : memref<1x128xi32, #tpu.memory_space<vmem>> -> memref<128xi32, #tpu.memory_space<vmem>>
      %dma_start3A_36 = arith.constant 0 : i32
      %dma_start3A_37 = arith.constant 0 : i32
      %dma_start3A_38 = tpu.memref_slice %arg2[%dma_start3A_36, %dma_start3A_37] : memref<10000x128xf32, #tpu.memory_space<hbm>> -> memref<10000x128xf32, #tpu.memory_space<hbm>>
      tpu.enqueue_indirect_dma source(%dma_start3A_38 : memref<10000x128xf32, #tpu.memory_space<hbm>>) target(%arg9 : memref<128x128xf32, #tpu.memory_space<vmem>>) offsets(%dma_start3A_35 : memref<128xi32, #tpu.memory_space<vmem>>) semaphore(%arg11 : memref<!tpu.dma_semaphore, #tpu.memory_space<semaphore_mem>>)
      %dma_wait3A = arith.constant 0 : i32
      %dma_wait3A_39 = tpu.memref_slice %arg7[%add3A_33, %dma_wait3A] : memref<104x128xi32, #tpu.memory_space<vmem>> -> memref<1x128xi32, #tpu.memory_space<vmem>>
      %dma_wait3A_40 = tpu.memref_squeeze %dma_wait3A_39 : memref<1x128xi32, #tpu.memory_space<vmem>> -> memref<128xi32, #tpu.memory_space<vmem>>
      %dma_wait3A_41 = arith.constant 0 : i32
      %dma_wait3A_42 = arith.constant 0 : i32
      %dma_wait3A_43 = tpu.memref_slice %arg2[%dma_wait3A_41, %dma_wait3A_42] : memref<10000x128xf32, #tpu.memory_space<hbm>> -> memref<10000x128xf32, #tpu.memory_space<hbm>>
      tpu.wait_indirect_dma semaphore(%arg11 : memref<!tpu.dma_semaphore, #tpu.memory_space<semaphore_mem>>) src(%dma_wait3A_43 : memref<10000x128xf32, #tpu.memory_space<hbm>>) dst(%arg9 : memref<128x128xf32, #tpu.memory_space<vmem>>)
      "tpu.region"() ({
        %run_scoped3A = tpu.sem_alloc : memref<!tpu.dma_semaphore, #tpu.memory_space<semaphore_mem>>
        %dma_start3A_44 = arith.constant 0 : i32
        %dma_start3A_45 = tpu.memref_slice %arg8[%add3A_33, %dma_start3A_44] : memref<104x128xi32, #tpu.memory_space<vmem>> -> memref<1x128xi32, #tpu.memory_space<vmem>>
        %dma_start3A_46 = tpu.memref_squeeze %dma_start3A_45 : memref<1x128xi32, #tpu.memory_space<vmem>> -> memref<128xi32, #tpu.memory_space<vmem>>
        %dma_start3A_47 = arith.constant 0 : i32
        %dma_start3A_48 = arith.constant 0 : i32
        %dma_start3A_49 = tpu.memref_slice %arg10[%dma_start3A_47, %dma_start3A_48] : memref<10240x128xf32, #tpu.memory_space<vmem_shared>> -> memref<10240x128xf32, #tpu.memory_space<vmem_shared>>
        tpu.enqueue_indirect_dma source(%arg9 : memref<128x128xf32, #tpu.memory_space<vmem>>) target(%dma_start3A_49 : memref<10240x128xf32, #tpu.memory_space<vmem_shared>>) offsets(%dma_start3A_46 : memref<128xi32, #tpu.memory_space<vmem>>) semaphore(%run_scoped3A : memref<!tpu.dma_semaphore, #tpu.memory_space<semaphore_mem>>) {add = true}
        %dma_wait3A_50 = arith.constant 0 : i32
        %dma_wait3A_51 = tpu.memref_slice %arg8[%add3A_33, %dma_wait3A_50] : memref<104x128xi32, #tpu.memory_space<vmem>> -> memref<1x128xi32, #tpu.memory_space<vmem>>
        %dma_wait3A_52 = tpu.memref_squeeze %dma_wait3A_51 : memref<1x128xi32, #tpu.memory_space<vmem>> -> memref<128xi32, #tpu.memory_space<vmem>>
        %dma_wait3A_53 = arith.constant 0 : i32
        %dma_wait3A_54 = arith.constant 0 : i32
        %dma_wait3A_55 = tpu.memref_slice %arg10[%dma_wait3A_53, %dma_wait3A_54] : memref<10240x128xf32, #tpu.memory_space<vmem_shared>> -> memref<10240x128xf32, #tpu.memory_space<vmem_shared>>
        tpu.wait_indirect_dma semaphore(%run_scoped3A : memref<!tpu.dma_semaphore, #tpu.memory_space<semaphore_mem>>) src(%arg9 : memref<128x128xf32, #tpu.memory_space<vmem>>) dst(%dma_wait3A_55 : memref<10240x128xf32, #tpu.memory_space<vmem_shared>>)
        tpu.yield
      }) : () -> ()
    }
    %while3A_26 = arith.constant 1 : i32
    scf.for %while3A_31 = %while3A_24 to %while3A_20 step %while3A_26  : i32 {
      %mul3A_32 = arith.muli %while3A_31, %while3A : i32
      %add3A_33 = arith.addi %while3A_17, %mul3A_32 : i32
      %dma_start3A = arith.constant 0 : i32
      %dma_start3A_34 = tpu.memref_slice %arg7[%add3A_33, %dma_start3A] : memref<104x128xi32, #tpu.memory_space<vmem>> -> memref<1x128xi32, #tpu.memory_space<vmem>>
      %dma_start3A_35 = tpu.memref_squeeze %dma_start3A_34 : memref<1x128xi32, #tpu.memory_space<vmem>> -> memref<128xi32, #tpu.memory_space<vmem>>
      %dma_start3A_36 = arith.constant 0 : i32
      %dma_start3A_37 = arith.constant 0 : i32
      %dma_start3A_38 = tpu.memref_slice %arg2[%dma_start3A_36, %dma_start3A_37] : memref<10000x128xf32, #tpu.memory_space<hbm>> -> memref<10000x128xf32, #tpu.memory_space<hbm>>
      tpu.enqueue_indirect_dma source(%dma_start3A_38 : memref<10000x128xf32, #tpu.memory_space<hbm>>) target(%arg9 : memref<128x128xf32, #tpu.memory_space<vmem>>) offsets(%dma_start3A_35 : memref<128xi32, #tpu.memory_space<vmem>>) semaphore(%arg11 : memref<!tpu.dma_semaphore, #tpu.memory_space<semaphore_mem>>)
      %dma_wait3A = arith.constant 0 : i32
      %dma_wait3A_39 = tpu.memref_slice %arg7[%add3A_33, %dma_wait3A] : memref<104x128xi32, #tpu.memory_space<vmem>> -> memref<1x128xi32, #tpu.memory_space<vmem>>
      %dma_wait3A_40 = tpu.memref_squeeze %dma_wait3A_39 : memref<1x128xi32, #tpu.memory_space<vmem>> -> memref<128xi32, #tpu.memory_space<vmem>>
      %dma_wait3A_41 = arith.constant 0 : i32
      %dma_wait3A_42 = arith.constant 0 : i32
      %dma_wait3A_43 = tpu.memref_slice %arg2[%dma_wait3A_41, %dma_wait3A_42] : memref<10000x128xf32, #tpu.memory_space<hbm>> -> memref<10000x128xf32, #tpu.memory_space<hbm>>
      tpu.wait_indirect_dma semaphore(%arg11 : memref<!tpu.dma_semaphore, #tpu.memory_space<semaphore_mem>>) src(%dma_wait3A_43 : memref<10000x128xf32, #tpu.memory_space<hbm>>) dst(%arg9 : memref<128x128xf32, #tpu.memory_space<vmem>>)
      "tpu.region"() ({
        %run_scoped3A = tpu.sem_alloc : memref<!tpu.dma_semaphore, #tpu.memory_space<semaphore_mem>>
        %dma_start3A_44 = arith.constant 0 : i32
        %dma_start3A_45 = tpu.memref_slice %arg8[%add3A_33, %dma_start3A_44] : memref<104x128xi32, #tpu.memory_space<vmem>> -> memref<1x128xi32, #tpu.memory_space<vmem>>
        %dma_start3A_46 = tpu.memref_squeeze %dma_start3A_45 : memref<1x128xi32, #tpu.memory_space<vmem>> -> memref<128xi32, #tpu.memory_space<vmem>>
        %dma_start3A_47 = arith.constant 0 : i32
        %dma_start3A_48 = arith.constant 0 : i32
        %dma_start3A_49 = tpu.memref_slice %arg10[%dma_start3A_47, %dma_start3A_48] : memref<10240x128xf32, #tpu.memory_space<vmem_shared>> -> memref<10240x128xf32, #tpu.memory_space<vmem_shared>>
        tpu.enqueue_indirect_dma source(%arg9 : memref<128x128xf32, #tpu.memory_space<vmem>>) target(%dma_start3A_49 : memref<10240x128xf32, #tpu.memory_space<vmem_shared>>) offsets(%dma_start3A_46 : memref<128xi32, #tpu.memory_space<vmem>>) semaphore(%run_scoped3A : memref<!tpu.dma_semaphore, #tpu.memory_space<semaphore_mem>>) {add = true}
        %dma_wait3A_50 = arith.constant 0 : i32
        %dma_wait3A_51 = tpu.memref_slice %arg8[%add3A_33, %dma_wait3A_50] : memref<104x128xi32, #tpu.memory_space<vmem>> -> memref<1x128xi32, #tpu.memory_space<vmem>>
        %dma_wait3A_52 = tpu.memref_squeeze %dma_wait3A_51 : memref<1x128xi32, #tpu.memory_space<vmem>> -> memref<128xi32, #tpu.memory_space<vmem>>
        %dma_wait3A_53 = arith.constant 0 : i32
        %dma_wait3A_54 = arith.constant 0 : i32
        %dma_wait3A_55 = tpu.memref_slice %arg10[%dma_wait3A_53, %dma_wait3A_54] : memref<10240x128xf32, #tpu.memory_space<vmem_shared>> -> memref<10240x128xf32, #tpu.memory_space<vmem_shared>>
        tpu.wait_indirect_dma semaphore(%run_scoped3A : memref<!tpu.dma_semaphore, #tpu.memory_space<semaphore_mem>>) src(%arg9 : memref<128x128xf32, #tpu.memory_space<vmem>>) dst(%dma_wait3A_55 : memref<10240x128xf32, #tpu.memory_space<vmem_shared>>)
        tpu.yield
      }) : () -> ()
    }
    %barrier3A_27 = arith.constant 0 : index
    tpu.barrier barrier_id(%barrier3A_27)
    %mul3A_28 = arith.constant 10240 : i32
    %mul3A_29 = arith.muli %arg0, %mul3A_28 : i32
    %add3A_30 = arith.addi %mul3A_29, %mul3A_0 : i32
    "tpu.region"() ({
      %run_scoped3A = tpu.sem_alloc : memref<!tpu.dma_semaphore, #tpu.memory_space<semaphore_mem>>
      %dma_start3A = arith.constant 0 : i32
      %dma_start3A_31 = tpu.memref_slice %arg6[%add3A_30, %dma_start3A] : memref<20480x128xf32, #tpu.memory_space<hbm>> -> memref<640x128xf32, #tpu.memory_space<hbm>>
      %dma_start3A_32 = arith.constant 0 : i32
      %dma_start3A_33 = tpu.memref_slice %arg10[%mul3A_0, %dma_start3A_32] : memref<10240x128xf32, #tpu.memory_space<vmem_shared>> -> memref<640x128xf32, #tpu.memory_space<vmem_shared>>
      tpu.enqueue_dma source(%dma_start3A_33 : memref<640x128xf32, #tpu.memory_space<vmem_shared>>) target(%dma_start3A_31 : memref<640x128xf32, #tpu.memory_space<hbm>>) target_semaphore(%run_scoped3A : memref<!tpu.dma_semaphore, #tpu.memory_space<semaphore_mem>>)
      %dma_wait3A = arith.constant 0 : i32
      %dma_wait3A_34 = tpu.memref_slice %arg6[%add3A_30, %dma_wait3A] : memref<20480x128xf32, #tpu.memory_space<hbm>> -> memref<640x128xf32, #tpu.memory_space<hbm>>
      %dma_wait3A_35 = arith.constant 0 : i32
      %dma_wait3A_36 = tpu.memref_slice %arg10[%mul3A_0, %dma_wait3A_35] : memref<10240x128xf32, #tpu.memory_space<vmem_shared>> -> memref<640x128xf32, #tpu.memory_space<vmem_shared>>
      tpu.wait_dma2 semaphore(%run_scoped3A : memref<!tpu.dma_semaphore, #tpu.memory_space<semaphore_mem>>) src(%dma_wait3A_36 : memref<640x128xf32, #tpu.memory_space<vmem_shared>>) dst(%dma_wait3A_34 : memref<640x128xf32, #tpu.memory_space<hbm>>)
      tpu.yield
    }) : () -> ()
    return
  }
}

#map = affine_map<(d0, d1) -> (0, 0)>
module attributes {stable_mosaic.version = 14 : i64} {
  func.func @_sc_deg_body(%arg0: i32, %arg1: i32, %arg2: memref<2664x128xi32, #tpu.memory_space<hbm>>, %arg3: memref<128x128xf32, #tpu.memory_space<hbm>>, %arg4: memref<640x128xf32, #tpu.memory_space<hbm>>, %arg5: memref<20480x128xf32, #tpu.memory_space<hbm>>, %arg6: memref<40x128xi32, #tpu.memory_space<vmem>>, %arg7: memref<128x128xf32, #tpu.memory_space<vmem>>, %arg8: memref<10240x128xf32, #tpu.memory_space<vmem_shared>>, %arg9: memref<!tpu.dma_semaphore, #tpu.memory_space<semaphore_mem>>) attributes {dimension_semantics = [#tpu.dimension_semantics<core_parallel>, #tpu.dimension_semantics<subcore_parallel>], iteration_bounds = array<i64: 2, 16>, scalar_prefetch = 0 : i64, scratch_operands = 4 : i64, tpu.core_type = #tpu.core_type<sc_vector_subcore>, window_params = [{transform_indices = #map}, {transform_indices = #map}, {transform_indices = #map}, {transform_indices = #map}]} {
    %mul3A = arith.constant 2 : i32
    %mul3A_0 = arith.muli %arg1, %mul3A : i32
    %add3A = arith.addi %mul3A_0, %arg0 : i32
    %mul3A_1 = arith.constant 640 : i32
    %mul3A_2 = arith.muli %arg1, %mul3A_1 : i32
    "tpu.region"() ({
      %run_scoped3A = tpu.sem_alloc : memref<!tpu.dma_semaphore, #tpu.memory_space<semaphore_mem>>
      %dma_start3A = arith.constant 0 : i32
      %dma_start3A_24 = tpu.memref_slice %arg8[%mul3A_2, %dma_start3A] : memref<10240x128xf32, #tpu.memory_space<vmem_shared>> -> memref<640x128xf32, #tpu.memory_space<vmem_shared>>
      tpu.enqueue_dma source(%arg4 : memref<640x128xf32, #tpu.memory_space<hbm>>) target(%dma_start3A_24 : memref<640x128xf32, #tpu.memory_space<vmem_shared>>) target_semaphore(%run_scoped3A : memref<!tpu.dma_semaphore, #tpu.memory_space<semaphore_mem>>)
      %dma_wait3A = arith.constant 0 : i32
      %dma_wait3A_25 = tpu.memref_slice %arg8[%mul3A_2, %dma_wait3A] : memref<10240x128xf32, #tpu.memory_space<vmem_shared>> -> memref<640x128xf32, #tpu.memory_space<vmem_shared>>
      tpu.wait_dma2 semaphore(%run_scoped3A : memref<!tpu.dma_semaphore, #tpu.memory_space<semaphore_mem>>) src(%arg4 : memref<640x128xf32, #tpu.memory_space<hbm>>) dst(%dma_wait3A_25 : memref<640x128xf32, #tpu.memory_space<vmem_shared>>)
      tpu.yield
    }) : () -> ()
    "tpu.region"() ({
      %run_scoped3A = tpu.sem_alloc : memref<!tpu.dma_semaphore, #tpu.memory_space<semaphore_mem>>
      tpu.enqueue_dma source(%arg3 : memref<128x128xf32, #tpu.memory_space<hbm>>) target(%arg7 : memref<128x128xf32, #tpu.memory_space<vmem>>) target_semaphore(%run_scoped3A : memref<!tpu.dma_semaphore, #tpu.memory_space<semaphore_mem>>)
      tpu.wait_dma2 semaphore(%run_scoped3A : memref<!tpu.dma_semaphore, #tpu.memory_space<semaphore_mem>>) src(%arg3 : memref<128x128xf32, #tpu.memory_space<hbm>>) dst(%arg7 : memref<128x128xf32, #tpu.memory_space<vmem>>)
      tpu.yield
    }) : () -> ()
    %barrier3A = arith.constant 0 : index
    tpu.barrier barrier_id(%barrier3A)
    %mul3A_3 = arith.constant 80 : i32
    %mul3A_4 = arith.muli %add3A, %mul3A_3 : i32
    %add3A_5 = arith.constant 0 : i32
    %add3A_6 = arith.addi %mul3A_4, %add3A_5 : i32
    "tpu.region"() ({
      %run_scoped3A = tpu.sem_alloc : memref<!tpu.dma_semaphore, #tpu.memory_space<semaphore_mem>>
      %dma_start3A = arith.constant 0 : i32
      %dma_start3A_24 = tpu.memref_slice %arg2[%add3A_6, %dma_start3A] : memref<2664x128xi32, #tpu.memory_space<hbm>> -> memref<40x128xi32, #tpu.memory_space<hbm>>
      %dma_start3A_25 = arith.constant 0 : i32
      %dma_start3A_26 = tpu.memref_slice %arg2[%add3A_6, %dma_start3A_25] : memref<2664x128xi32, #tpu.memory_space<hbm>> -> memref<40x128xi32, #tpu.memory_space<hbm>>
      tpu.enqueue_dma source(%dma_start3A_26 : memref<40x128xi32, #tpu.memory_space<hbm>>) target(%arg6 : memref<40x128xi32, #tpu.memory_space<vmem>>) target_semaphore(%run_scoped3A : memref<!tpu.dma_semaphore, #tpu.memory_space<semaphore_mem>>)
      %dma_wait3A = arith.constant 0 : i32
      %dma_wait3A_27 = tpu.memref_slice %arg2[%add3A_6, %dma_wait3A] : memref<2664x128xi32, #tpu.memory_space<hbm>> -> memref<40x128xi32, #tpu.memory_space<hbm>>
      %dma_wait3A_28 = arith.constant 0 : i32
      %dma_wait3A_29 = tpu.memref_slice %arg2[%add3A_6, %dma_wait3A_28] : memref<2664x128xi32, #tpu.memory_space<hbm>> -> memref<40x128xi32, #tpu.memory_space<hbm>>
      tpu.wait_dma2 semaphore(%run_scoped3A : memref<!tpu.dma_semaphore, #tpu.memory_space<semaphore_mem>>) src(%dma_wait3A_29 : memref<40x128xi32, #tpu.memory_space<hbm>>) dst(%arg6 : memref<40x128xi32, #tpu.memory_space<vmem>>)
      tpu.yield
    }) : () -> ()
    %scan3A = arith.constant 0 : i32
    %scan3A_7 = arith.constant 40 : i32
    %scan3A_8 = arith.addi %scan3A, %scan3A_7 : i32
    %scan3A_9 = arith.constant 1 : i32
    scf.for %scan3A_24 = %scan3A to %scan3A_8 step %scan3A_9  : i32 {
      %mul3A_25 = arith.constant 1 : i32
      %mul3A_26 = arith.muli %scan3A_24, %mul3A_25 : i32
      %add3A_27 = arith.constant 0 : i32
      %add3A_28 = arith.addi %add3A_27, %mul3A_26 : i32
      "tpu.region"() ({
        %run_scoped3A = tpu.sem_alloc : memref<!tpu.dma_semaphore, #tpu.memory_space<semaphore_mem>>
        %dma_start3A = arith.constant 0 : i32
        %dma_start3A_29 = tpu.memref_slice %arg6[%add3A_28, %dma_start3A] : memref<40x128xi32, #tpu.memory_space<vmem>> -> memref<1x128xi32, #tpu.memory_space<vmem>>
        %dma_start3A_30 = tpu.memref_squeeze %dma_start3A_29 : memref<1x128xi32, #tpu.memory_space<vmem>> -> memref<128xi32, #tpu.memory_space<vmem>>
        %dma_start3A_31 = arith.constant 0 : i32
        %dma_start3A_32 = arith.constant 0 : i32
        %dma_start3A_33 = tpu.memref_slice %arg8[%dma_start3A_31, %dma_start3A_32] : memref<10240x128xf32, #tpu.memory_space<vmem_shared>> -> memref<10240x128xf32, #tpu.memory_space<vmem_shared>>
        tpu.enqueue_indirect_dma source(%arg7 : memref<128x128xf32, #tpu.memory_space<vmem>>) target(%dma_start3A_33 : memref<10240x128xf32, #tpu.memory_space<vmem_shared>>) offsets(%dma_start3A_30 : memref<128xi32, #tpu.memory_space<vmem>>) semaphore(%run_scoped3A : memref<!tpu.dma_semaphore, #tpu.memory_space<semaphore_mem>>) {add = true}
        %dma_wait3A = arith.constant 0 : i32
        %dma_wait3A_34 = tpu.memref_slice %arg6[%add3A_28, %dma_wait3A] : memref<40x128xi32, #tpu.memory_space<vmem>> -> memref<1x128xi32, #tpu.memory_space<vmem>>
        %dma_wait3A_35 = tpu.memref_squeeze %dma_wait3A_34 : memref<1x128xi32, #tpu.memory_space<vmem>> -> memref<128xi32, #tpu.memory_space<vmem>>
        %dma_wait3A_36 = arith.constant 0 : i32
        %dma_wait3A_37 = arith.constant 0 : i32
        %dma_wait3A_38 = tpu.memref_slice %arg8[%dma_wait3A_36, %dma_wait3A_37] : memref<10240x128xf32, #tpu.memory_space<vmem_shared>> -> memref<10240x128xf32, #tpu.memory_space<vmem_shared>>
        tpu.wait_indirect_dma semaphore(%run_scoped3A : memref<!tpu.dma_semaphore, #tpu.memory_space<semaphore_mem>>) src(%arg7 : memref<128x128xf32, #tpu.memory_space<vmem>>) dst(%dma_wait3A_38 : memref<10240x128xf32, #tpu.memory_space<vmem_shared>>)
        tpu.yield
      }) : () -> ()
    }
    %scan3A_10 = arith.constant 40 : i32
    %mul3A_11 = arith.constant 80 : i32
    %mul3A_12 = arith.muli %add3A, %mul3A_11 : i32
    %add3A_13 = arith.constant 40 : i32
    %add3A_14 = arith.addi %mul3A_12, %add3A_13 : i32
    "tpu.region"() ({
      %run_scoped3A = tpu.sem_alloc : memref<!tpu.dma_semaphore, #tpu.memory_space<semaphore_mem>>
      %dma_start3A = arith.constant 0 : i32
      %dma_start3A_24 = tpu.memref_slice %arg2[%add3A_14, %dma_start3A] : memref<2664x128xi32, #tpu.memory_space<hbm>> -> memref<40x128xi32, #tpu.memory_space<hbm>>
      %dma_start3A_25 = arith.constant 0 : i32
      %dma_start3A_26 = tpu.memref_slice %arg2[%add3A_14, %dma_start3A_25] : memref<2664x128xi32, #tpu.memory_space<hbm>> -> memref<40x128xi32, #tpu.memory_space<hbm>>
      tpu.enqueue_dma source(%dma_start3A_26 : memref<40x128xi32, #tpu.memory_space<hbm>>) target(%arg6 : memref<40x128xi32, #tpu.memory_space<vmem>>) target_semaphore(%run_scoped3A : memref<!tpu.dma_semaphore, #tpu.memory_space<semaphore_mem>>)
      %dma_wait3A = arith.constant 0 : i32
      %dma_wait3A_27 = tpu.memref_slice %arg2[%add3A_14, %dma_wait3A] : memref<2664x128xi32, #tpu.memory_space<hbm>> -> memref<40x128xi32, #tpu.memory_space<hbm>>
      %dma_wait3A_28 = arith.constant 0 : i32
      %dma_wait3A_29 = tpu.memref_slice %arg2[%add3A_14, %dma_wait3A_28] : memref<2664x128xi32, #tpu.memory_space<hbm>> -> memref<40x128xi32, #tpu.memory_space<hbm>>
      tpu.wait_dma2 semaphore(%run_scoped3A : memref<!tpu.dma_semaphore, #tpu.memory_space<semaphore_mem>>) src(%dma_wait3A_29 : memref<40x128xi32, #tpu.memory_space<hbm>>) dst(%arg6 : memref<40x128xi32, #tpu.memory_space<vmem>>)
      tpu.yield
    }) : () -> ()
    %scan3A_15 = arith.constant 0 : i32
    %scan3A_16 = arith.constant 40 : i32
    %scan3A_17 = arith.addi %scan3A_15, %scan3A_16 : i32
    %scan3A_18 = arith.constant 1 : i32
    scf.for %scan3A_24 = %scan3A_15 to %scan3A_17 step %scan3A_18  : i32 {
      %mul3A_25 = arith.constant 1 : i32
      %mul3A_26 = arith.muli %scan3A_24, %mul3A_25 : i32
      %add3A_27 = arith.constant 0 : i32
      %add3A_28 = arith.addi %add3A_27, %mul3A_26 : i32
      "tpu.region"() ({
        %run_scoped3A = tpu.sem_alloc : memref<!tpu.dma_semaphore, #tpu.memory_space<semaphore_mem>>
        %dma_start3A = arith.constant 0 : i32
        %dma_start3A_29 = tpu.memref_slice %arg6[%add3A_28, %dma_start3A] : memref<40x128xi32, #tpu.memory_space<vmem>> -> memref<1x128xi32, #tpu.memory_space<vmem>>
        %dma_start3A_30 = tpu.memref_squeeze %dma_start3A_29 : memref<1x128xi32, #tpu.memory_space<vmem>> -> memref<128xi32, #tpu.memory_space<vmem>>
        %dma_start3A_31 = arith.constant 0 : i32
        %dma_start3A_32 = arith.constant 0 : i32
        %dma_start3A_33 = tpu.memref_slice %arg8[%dma_start3A_31, %dma_start3A_32] : memref<10240x128xf32, #tpu.memory_space<vmem_shared>> -> memref<10240x128xf32, #tpu.memory_space<vmem_shared>>
        tpu.enqueue_indirect_dma source(%arg7 : memref<128x128xf32, #tpu.memory_space<vmem>>) target(%dma_start3A_33 : memref<10240x128xf32, #tpu.memory_space<vmem_shared>>) offsets(%dma_start3A_30 : memref<128xi32, #tpu.memory_space<vmem>>) semaphore(%run_scoped3A : memref<!tpu.dma_semaphore, #tpu.memory_space<semaphore_mem>>) {add = true}
        %dma_wait3A = arith.constant 0 : i32
        %dma_wait3A_34 = tpu.memref_slice %arg6[%add3A_28, %dma_wait3A] : memref<40x128xi32, #tpu.memory_space<vmem>> -> memref<1x128xi32, #tpu.memory_space<vmem>>
        %dma_wait3A_35 = tpu.memref_squeeze %dma_wait3A_34 : memref<1x128xi32, #tpu.memory_space<vmem>> -> memref<128xi32, #tpu.memory_space<vmem>>
        %dma_wait3A_36 = arith.constant 0 : i32
        %dma_wait3A_37 = arith.constant 0 : i32
        %dma_wait3A_38 = tpu.memref_slice %arg8[%dma_wait3A_36, %dma_wait3A_37] : memref<10240x128xf32, #tpu.memory_space<vmem_shared>> -> memref<10240x128xf32, #tpu.memory_space<vmem_shared>>
        tpu.wait_indirect_dma semaphore(%run_scoped3A : memref<!tpu.dma_semaphore, #tpu.memory_space<semaphore_mem>>) src(%arg7 : memref<128x128xf32, #tpu.memory_space<vmem>>) dst(%dma_wait3A_38 : memref<10240x128xf32, #tpu.memory_space<vmem_shared>>)
        tpu.yield
      }) : () -> ()
    }
    %scan3A_19 = arith.constant 40 : i32
    %barrier3A_20 = arith.constant 0 : index
    tpu.barrier barrier_id(%barrier3A_20)
    %mul3A_21 = arith.constant 10240 : i32
    %mul3A_22 = arith.muli %arg0, %mul3A_21 : i32
    %add3A_23 = arith.addi %mul3A_22, %mul3A_2 : i32
    "tpu.region"() ({
      %run_scoped3A = tpu.sem_alloc : memref<!tpu.dma_semaphore, #tpu.memory_space<semaphore_mem>>
      %dma_start3A = arith.constant 0 : i32
      %dma_start3A_24 = tpu.memref_slice %arg5[%add3A_23, %dma_start3A] : memref<20480x128xf32, #tpu.memory_space<hbm>> -> memref<640x128xf32, #tpu.memory_space<hbm>>
      %dma_start3A_25 = arith.constant 0 : i32
      %dma_start3A_26 = tpu.memref_slice %arg8[%mul3A_2, %dma_start3A_25] : memref<10240x128xf32, #tpu.memory_space<vmem_shared>> -> memref<640x128xf32, #tpu.memory_space<vmem_shared>>
      tpu.enqueue_dma source(%dma_start3A_26 : memref<640x128xf32, #tpu.memory_space<vmem_shared>>) target(%dma_start3A_24 : memref<640x128xf32, #tpu.memory_space<hbm>>) target_semaphore(%run_scoped3A : memref<!tpu.dma_semaphore, #tpu.memory_space<semaphore_mem>>)
      %dma_wait3A = arith.constant 0 : i32
      %dma_wait3A_27 = tpu.memref_slice %arg5[%add3A_23, %dma_wait3A] : memref<20480x128xf32, #tpu.memory_space<hbm>> -> memref<640x128xf32, #tpu.memory_space<hbm>>
      %dma_wait3A_28 = arith.constant 0 : i32
      %dma_wait3A_29 = tpu.memref_slice %arg8[%mul3A_2, %dma_wait3A_28] : memref<10240x128xf32, #tpu.memory_space<vmem_shared>> -> memref<640x128xf32, #tpu.memory_space<vmem_shared>>
      tpu.wait_dma2 semaphore(%run_scoped3A : memref<!tpu.dma_semaphore, #tpu.memory_space<semaphore_mem>>) src(%dma_wait3A_29 : memref<640x128xf32, #tpu.memory_space<vmem_shared>>) dst(%dma_wait3A_27 : memref<640x128xf32, #tpu.memory_space<hbm>>)
      tpu.yield
    }) : () -> ()
    return
  }
}

#map = affine_map<(d0, d1) -> (0, 0)>
module attributes {stable_mosaic.version = 14 : i64} {
  func.func @body(%arg0: i32, %arg1: i32, %arg2: memref<10000x128xf32, #tpu.memory_space<hbm>>, %arg3: memref<2664x128xi32, #tpu.memory_space<hbm>>, %arg4: memref<2664x128xi32, #tpu.memory_space<hbm>>, %arg5: memref<640x128xf32, #tpu.memory_space<hbm>>, %arg6: memref<20480x128xf32, #tpu.memory_space<hbm>>, %arg7: memref<104x128xi32, #tpu.memory_space<vmem>>, %arg8: memref<104x128xi32, #tpu.memory_space<vmem>>, %arg9: memref<128x128xf32, #tpu.memory_space<vmem>>, %arg10: memref<10240x128xf32, #tpu.memory_space<vmem_shared>>, %arg11: memref<!tpu.dma_semaphore, #tpu.memory_space<semaphore_mem>>) attributes {dimension_semantics = [#tpu.dimension_semantics<core_parallel>, #tpu.dimension_semantics<subcore_parallel>], iteration_bounds = array<i64: 2, 16>, scalar_prefetch = 0 : i64, scratch_operands = 5 : i64, tpu.core_type = #tpu.core_type<sc_vector_subcore>, window_params = [{transform_indices = #map}, {transform_indices = #map}, {transform_indices = #map}, {transform_indices = #map}, {transform_indices = #map}]} {
    %mul3A = arith.constant 640 : i32
    %mul3A_0 = arith.muli %arg1, %mul3A : i32
    "tpu.region"() ({
      %run_scoped3A = tpu.sem_alloc : memref<!tpu.dma_semaphore, #tpu.memory_space<semaphore_mem>>
      %dma_start3A = arith.constant 0 : i32
      %dma_start3A_31 = tpu.memref_slice %arg10[%mul3A_0, %dma_start3A] : memref<10240x128xf32, #tpu.memory_space<vmem_shared>> -> memref<640x128xf32, #tpu.memory_space<vmem_shared>>
      tpu.enqueue_dma source(%arg5 : memref<640x128xf32, #tpu.memory_space<hbm>>) target(%dma_start3A_31 : memref<640x128xf32, #tpu.memory_space<vmem_shared>>) target_semaphore(%run_scoped3A : memref<!tpu.dma_semaphore, #tpu.memory_space<semaphore_mem>>)
      %dma_wait3A = arith.constant 0 : i32
      %dma_wait3A_32 = tpu.memref_slice %arg10[%mul3A_0, %dma_wait3A] : memref<10240x128xf32, #tpu.memory_space<vmem_shared>> -> memref<640x128xf32, #tpu.memory_space<vmem_shared>>
      tpu.wait_dma2 semaphore(%run_scoped3A : memref<!tpu.dma_semaphore, #tpu.memory_space<semaphore_mem>>) src(%arg5 : memref<640x128xf32, #tpu.memory_space<hbm>>) dst(%dma_wait3A_32 : memref<640x128xf32, #tpu.memory_space<vmem_shared>>)
      tpu.yield
    }) : () -> ()
    %eq3A = arith.constant 0 : i32
    %eq3A_1 = arith.cmpi eq, %arg0, %eq3A : i32
    %mul3A_2 = arith.constant 104 : i32
    %mul3A_3 = arith.muli %arg1, %mul3A_2 : i32
    %mul3A_4 = arith.constant 56 : i32
    %mul3A_5 = arith.muli %arg1, %mul3A_4 : i32
    %add3A = arith.constant 1664 : i32
    %add3A_6 = arith.addi %add3A, %mul3A_5 : i32
    %select_n3A = arith.select %eq3A_1, %mul3A_3, %add3A_6 : i32
    %eq3A_7 = arith.constant 0 : i32
    %eq3A_8 = arith.cmpi eq, %arg0, %eq3A_7 : i32
    %jit3A = arith.constant 104 : i32
    %jit3A_9 = arith.constant 56 : i32
    %select_n3A_10 = arith.select %eq3A_8, %jit3A, %jit3A_9 : i32
    "tpu.region"() ({
      %run_scoped3A = tpu.sem_alloc : memref<!tpu.dma_semaphore, #tpu.memory_space<semaphore_mem>>
      %dma_start3A = arith.constant 0 : i32
      %dma_start3A_31 = tpu.memref_slice %arg3[%select_n3A, %dma_start3A] : memref<2664x128xi32, #tpu.memory_space<hbm>> -> memref<104x128xi32, #tpu.memory_space<hbm>>
      %dma_start3A_32 = arith.constant 0 : i32
      %dma_start3A_33 = tpu.memref_slice %arg3[%select_n3A, %dma_start3A_32] : memref<2664x128xi32, #tpu.memory_space<hbm>> -> memref<104x128xi32, #tpu.memory_space<hbm>>
      tpu.enqueue_dma source(%dma_start3A_33 : memref<104x128xi32, #tpu.memory_space<hbm>>) target(%arg7 : memref<104x128xi32, #tpu.memory_space<vmem>>) target_semaphore(%run_scoped3A : memref<!tpu.dma_semaphore, #tpu.memory_space<semaphore_mem>>)
      %dma_wait3A = arith.constant 0 : i32
      %dma_wait3A_34 = tpu.memref_slice %arg3[%select_n3A, %dma_wait3A] : memref<2664x128xi32, #tpu.memory_space<hbm>> -> memref<104x128xi32, #tpu.memory_space<hbm>>
      %dma_wait3A_35 = arith.constant 0 : i32
      %dma_wait3A_36 = tpu.memref_slice %arg3[%select_n3A, %dma_wait3A_35] : memref<2664x128xi32, #tpu.memory_space<hbm>> -> memref<104x128xi32, #tpu.memory_space<hbm>>
      tpu.wait_dma2 semaphore(%run_scoped3A : memref<!tpu.dma_semaphore, #tpu.memory_space<semaphore_mem>>) src(%dma_wait3A_36 : memref<104x128xi32, #tpu.memory_space<hbm>>) dst(%arg7 : memref<104x128xi32, #tpu.memory_space<vmem>>)
      tpu.yield
    }) : () -> ()
    "tpu.region"() ({
      %run_scoped3A = tpu.sem_alloc : memref<!tpu.dma_semaphore, #tpu.memory_space<semaphore_mem>>
      %dma_start3A = arith.constant 0 : i32
      %dma_start3A_31 = tpu.memref_slice %arg4[%select_n3A, %dma_start3A] : memref<2664x128xi32, #tpu.memory_space<hbm>> -> memref<104x128xi32, #tpu.memory_space<hbm>>
      %dma_start3A_32 = arith.constant 0 : i32
      %dma_start3A_33 = tpu.memref_slice %arg4[%select_n3A, %dma_start3A_32] : memref<2664x128xi32, #tpu.memory_space<hbm>> -> memref<104x128xi32, #tpu.memory_space<hbm>>
      tpu.enqueue_dma source(%dma_start3A_33 : memref<104x128xi32, #tpu.memory_space<hbm>>) target(%arg8 : memref<104x128xi32, #tpu.memory_space<vmem>>) target_semaphore(%run_scoped3A : memref<!tpu.dma_semaphore, #tpu.memory_space<semaphore_mem>>)
      %dma_wait3A = arith.constant 0 : i32
      %dma_wait3A_34 = tpu.memref_slice %arg4[%select_n3A, %dma_wait3A] : memref<2664x128xi32, #tpu.memory_space<hbm>> -> memref<104x128xi32, #tpu.memory_space<hbm>>
      %dma_wait3A_35 = arith.constant 0 : i32
      %dma_wait3A_36 = tpu.memref_slice %arg4[%select_n3A, %dma_wait3A_35] : memref<2664x128xi32, #tpu.memory_space<hbm>> -> memref<104x128xi32, #tpu.memory_space<hbm>>
      tpu.wait_dma2 semaphore(%run_scoped3A : memref<!tpu.dma_semaphore, #tpu.memory_space<semaphore_mem>>) src(%dma_wait3A_36 : memref<104x128xi32, #tpu.memory_space<hbm>>) dst(%arg8 : memref<104x128xi32, #tpu.memory_space<vmem>>)
      tpu.yield
    }) : () -> ()
    %barrier3A = arith.constant 0 : index
    tpu.barrier barrier_id(%barrier3A)
    %sub3A = arith.constant 0 : i32
    %sub3A_11 = arith.subi %select_n3A_10, %sub3A : i32
    %sub3A_12 = arith.constant 1 : i32
    %sub3A_13 = arith.constant 1 : i32
    %sub3A_14 = arith.subi %sub3A_12, %sub3A_13 : i32
    %add3A_15 = arith.addi %sub3A_11, %sub3A_14 : i32
    %div3A = arith.constant 1 : i32
    %div3A_16 = arith.divsi %add3A_15, %div3A : i32
    %while3A = arith.constant 1 : i32
    %while3A_17 = arith.constant 0 : i32
    %while3A_18 = arith.constant 0 : i32
    %while3A_19 = arith.subi %div3A_16, %while3A_18 : i32
    %while3A_20 = arith.addi %while3A_18, %while3A_19 : i32
    %while3A_21 = arith.constant 1 : i32
    %while3A_22 = arith.divsi %while3A_19, %while3A_21 : i32
    %while3A_23 = arith.muli %while3A_22, %while3A_21 : i32
    %while3A_24 = arith.addi %while3A_18, %while3A_23 : i32
    %while3A_25 = arith.constant 1 : i32
    scf.for %while3A_31 = %while3A_18 to %while3A_24 step %while3A_25  : i32 {
      %mul3A_32 = arith.muli %while3A_31, %while3A : i32
      %add3A_33 = arith.addi %while3A_17, %mul3A_32 : i32
      %dma_start3A = arith.constant 0 : i32
      %dma_start3A_34 = tpu.memref_slice %arg7[%add3A_33, %dma_start3A] : memref<104x128xi32, #tpu.memory_space<vmem>> -> memref<1x128xi32, #tpu.memory_space<vmem>>
      %dma_start3A_35 = tpu.memref_squeeze %dma_start3A_34 : memref<1x128xi32, #tpu.memory_space<vmem>> -> memref<128xi32, #tpu.memory_space<vmem>>
      %dma_start3A_36 = arith.constant 0 : i32
      %dma_start3A_37 = arith.constant 0 : i32
      %dma_start3A_38 = tpu.memref_slice %arg2[%dma_start3A_36, %dma_start3A_37] : memref<10000x128xf32, #tpu.memory_space<hbm>> -> memref<10000x128xf32, #tpu.memory_space<hbm>>
      tpu.enqueue_indirect_dma source(%dma_start3A_38 : memref<10000x128xf32, #tpu.memory_space<hbm>>) target(%arg9 : memref<128x128xf32, #tpu.memory_space<vmem>>) offsets(%dma_start3A_35 : memref<128xi32, #tpu.memory_space<vmem>>) semaphore(%arg11 : memref<!tpu.dma_semaphore, #tpu.memory_space<semaphore_mem>>)
      %dma_wait3A = arith.constant 0 : i32
      %dma_wait3A_39 = tpu.memref_slice %arg7[%add3A_33, %dma_wait3A] : memref<104x128xi32, #tpu.memory_space<vmem>> -> memref<1x128xi32, #tpu.memory_space<vmem>>
      %dma_wait3A_40 = tpu.memref_squeeze %dma_wait3A_39 : memref<1x128xi32, #tpu.memory_space<vmem>> -> memref<128xi32, #tpu.memory_space<vmem>>
      %dma_wait3A_41 = arith.constant 0 : i32
      %dma_wait3A_42 = arith.constant 0 : i32
      %dma_wait3A_43 = tpu.memref_slice %arg2[%dma_wait3A_41, %dma_wait3A_42] : memref<10000x128xf32, #tpu.memory_space<hbm>> -> memref<10000x128xf32, #tpu.memory_space<hbm>>
      tpu.wait_indirect_dma semaphore(%arg11 : memref<!tpu.dma_semaphore, #tpu.memory_space<semaphore_mem>>) src(%dma_wait3A_43 : memref<10000x128xf32, #tpu.memory_space<hbm>>) dst(%arg9 : memref<128x128xf32, #tpu.memory_space<vmem>>)
      "tpu.region"() ({
        %run_scoped3A = tpu.sem_alloc : memref<!tpu.dma_semaphore, #tpu.memory_space<semaphore_mem>>
        %dma_start3A_44 = arith.constant 0 : i32
        %dma_start3A_45 = tpu.memref_slice %arg8[%add3A_33, %dma_start3A_44] : memref<104x128xi32, #tpu.memory_space<vmem>> -> memref<1x128xi32, #tpu.memory_space<vmem>>
        %dma_start3A_46 = tpu.memref_squeeze %dma_start3A_45 : memref<1x128xi32, #tpu.memory_space<vmem>> -> memref<128xi32, #tpu.memory_space<vmem>>
        %dma_start3A_47 = arith.constant 0 : i32
        %dma_start3A_48 = arith.constant 0 : i32
        %dma_start3A_49 = tpu.memref_slice %arg10[%dma_start3A_47, %dma_start3A_48] : memref<10240x128xf32, #tpu.memory_space<vmem_shared>> -> memref<10240x128xf32, #tpu.memory_space<vmem_shared>>
        tpu.enqueue_indirect_dma source(%arg9 : memref<128x128xf32, #tpu.memory_space<vmem>>) target(%dma_start3A_49 : memref<10240x128xf32, #tpu.memory_space<vmem_shared>>) offsets(%dma_start3A_46 : memref<128xi32, #tpu.memory_space<vmem>>) semaphore(%run_scoped3A : memref<!tpu.dma_semaphore, #tpu.memory_space<semaphore_mem>>) {add = true}
        %dma_wait3A_50 = arith.constant 0 : i32
        %dma_wait3A_51 = tpu.memref_slice %arg8[%add3A_33, %dma_wait3A_50] : memref<104x128xi32, #tpu.memory_space<vmem>> -> memref<1x128xi32, #tpu.memory_space<vmem>>
        %dma_wait3A_52 = tpu.memref_squeeze %dma_wait3A_51 : memref<1x128xi32, #tpu.memory_space<vmem>> -> memref<128xi32, #tpu.memory_space<vmem>>
        %dma_wait3A_53 = arith.constant 0 : i32
        %dma_wait3A_54 = arith.constant 0 : i32
        %dma_wait3A_55 = tpu.memref_slice %arg10[%dma_wait3A_53, %dma_wait3A_54] : memref<10240x128xf32, #tpu.memory_space<vmem_shared>> -> memref<10240x128xf32, #tpu.memory_space<vmem_shared>>
        tpu.wait_indirect_dma semaphore(%run_scoped3A : memref<!tpu.dma_semaphore, #tpu.memory_space<semaphore_mem>>) src(%arg9 : memref<128x128xf32, #tpu.memory_space<vmem>>) dst(%dma_wait3A_55 : memref<10240x128xf32, #tpu.memory_space<vmem_shared>>)
        tpu.yield
      }) : () -> ()
    }
    %while3A_26 = arith.constant 1 : i32
    scf.for %while3A_31 = %while3A_24 to %while3A_20 step %while3A_26  : i32 {
      %mul3A_32 = arith.muli %while3A_31, %while3A : i32
      %add3A_33 = arith.addi %while3A_17, %mul3A_32 : i32
      %dma_start3A = arith.constant 0 : i32
      %dma_start3A_34 = tpu.memref_slice %arg7[%add3A_33, %dma_start3A] : memref<104x128xi32, #tpu.memory_space<vmem>> -> memref<1x128xi32, #tpu.memory_space<vmem>>
      %dma_start3A_35 = tpu.memref_squeeze %dma_start3A_34 : memref<1x128xi32, #tpu.memory_space<vmem>> -> memref<128xi32, #tpu.memory_space<vmem>>
      %dma_start3A_36 = arith.constant 0 : i32
      %dma_start3A_37 = arith.constant 0 : i32
      %dma_start3A_38 = tpu.memref_slice %arg2[%dma_start3A_36, %dma_start3A_37] : memref<10000x128xf32, #tpu.memory_space<hbm>> -> memref<10000x128xf32, #tpu.memory_space<hbm>>
      tpu.enqueue_indirect_dma source(%dma_start3A_38 : memref<10000x128xf32, #tpu.memory_space<hbm>>) target(%arg9 : memref<128x128xf32, #tpu.memory_space<vmem>>) offsets(%dma_start3A_35 : memref<128xi32, #tpu.memory_space<vmem>>) semaphore(%arg11 : memref<!tpu.dma_semaphore, #tpu.memory_space<semaphore_mem>>)
      %dma_wait3A = arith.constant 0 : i32
      %dma_wait3A_39 = tpu.memref_slice %arg7[%add3A_33, %dma_wait3A] : memref<104x128xi32, #tpu.memory_space<vmem>> -> memref<1x128xi32, #tpu.memory_space<vmem>>
      %dma_wait3A_40 = tpu.memref_squeeze %dma_wait3A_39 : memref<1x128xi32, #tpu.memory_space<vmem>> -> memref<128xi32, #tpu.memory_space<vmem>>
      %dma_wait3A_41 = arith.constant 0 : i32
      %dma_wait3A_42 = arith.constant 0 : i32
      %dma_wait3A_43 = tpu.memref_slice %arg2[%dma_wait3A_41, %dma_wait3A_42] : memref<10000x128xf32, #tpu.memory_space<hbm>> -> memref<10000x128xf32, #tpu.memory_space<hbm>>
      tpu.wait_indirect_dma semaphore(%arg11 : memref<!tpu.dma_semaphore, #tpu.memory_space<semaphore_mem>>) src(%dma_wait3A_43 : memref<10000x128xf32, #tpu.memory_space<hbm>>) dst(%arg9 : memref<128x128xf32, #tpu.memory_space<vmem>>)
      "tpu.region"() ({
        %run_scoped3A = tpu.sem_alloc : memref<!tpu.dma_semaphore, #tpu.memory_space<semaphore_mem>>
        %dma_start3A_44 = arith.constant 0 : i32
        %dma_start3A_45 = tpu.memref_slice %arg8[%add3A_33, %dma_start3A_44] : memref<104x128xi32, #tpu.memory_space<vmem>> -> memref<1x128xi32, #tpu.memory_space<vmem>>
        %dma_start3A_46 = tpu.memref_squeeze %dma_start3A_45 : memref<1x128xi32, #tpu.memory_space<vmem>> -> memref<128xi32, #tpu.memory_space<vmem>>
        %dma_start3A_47 = arith.constant 0 : i32
        %dma_start3A_48 = arith.constant 0 : i32
        %dma_start3A_49 = tpu.memref_slice %arg10[%dma_start3A_47, %dma_start3A_48] : memref<10240x128xf32, #tpu.memory_space<vmem_shared>> -> memref<10240x128xf32, #tpu.memory_space<vmem_shared>>
        tpu.enqueue_indirect_dma source(%arg9 : memref<128x128xf32, #tpu.memory_space<vmem>>) target(%dma_start3A_49 : memref<10240x128xf32, #tpu.memory_space<vmem_shared>>) offsets(%dma_start3A_46 : memref<128xi32, #tpu.memory_space<vmem>>) semaphore(%run_scoped3A : memref<!tpu.dma_semaphore, #tpu.memory_space<semaphore_mem>>) {add = true}
        %dma_wait3A_50 = arith.constant 0 : i32
        %dma_wait3A_51 = tpu.memref_slice %arg8[%add3A_33, %dma_wait3A_50] : memref<104x128xi32, #tpu.memory_space<vmem>> -> memref<1x128xi32, #tpu.memory_space<vmem>>
        %dma_wait3A_52 = tpu.memref_squeeze %dma_wait3A_51 : memref<1x128xi32, #tpu.memory_space<vmem>> -> memref<128xi32, #tpu.memory_space<vmem>>
        %dma_wait3A_53 = arith.constant 0 : i32
        %dma_wait3A_54 = arith.constant 0 : i32
        %dma_wait3A_55 = tpu.memref_slice %arg10[%dma_wait3A_53, %dma_wait3A_54] : memref<10240x128xf32, #tpu.memory_space<vmem_shared>> -> memref<10240x128xf32, #tpu.memory_space<vmem_shared>>
        tpu.wait_indirect_dma semaphore(%run_scoped3A : memref<!tpu.dma_semaphore, #tpu.memory_space<semaphore_mem>>) src(%arg9 : memref<128x128xf32, #tpu.memory_space<vmem>>) dst(%dma_wait3A_55 : memref<10240x128xf32, #tpu.memory_space<vmem_shared>>)
        tpu.yield
      }) : () -> ()
    }
    %barrier3A_27 = arith.constant 0 : index
    tpu.barrier barrier_id(%barrier3A_27)
    %mul3A_28 = arith.constant 10240 : i32
    %mul3A_29 = arith.muli %arg0, %mul3A_28 : i32
    %add3A_30 = arith.addi %mul3A_29, %mul3A_0 : i32
    "tpu.region"() ({
      %run_scoped3A = tpu.sem_alloc : memref<!tpu.dma_semaphore, #tpu.memory_space<semaphore_mem>>
      %dma_start3A = arith.constant 0 : i32
      %dma_start3A_31 = tpu.memref_slice %arg6[%add3A_30, %dma_start3A] : memref<20480x128xf32, #tpu.memory_space<hbm>> -> memref<640x128xf32, #tpu.memory_space<hbm>>
      %dma_start3A_32 = arith.constant 0 : i32
      %dma_start3A_33 = tpu.memref_slice %arg10[%mul3A_0, %dma_start3A_32] : memref<10240x128xf32, #tpu.memory_space<vmem_shared>> -> memref<640x128xf32, #tpu.memory_space<vmem_shared>>
      tpu.enqueue_dma source(%dma_start3A_33 : memref<640x128xf32, #tpu.memory_space<vmem_shared>>) target(%dma_start3A_31 : memref<640x128xf32, #tpu.memory_space<hbm>>) target_semaphore(%run_scoped3A : memref<!tpu.dma_semaphore, #tpu.memory_space<semaphore_mem>>)
      %dma_wait3A = arith.constant 0 : i32
      %dma_wait3A_34 = tpu.memref_slice %arg6[%add3A_30, %dma_wait3A] : memref<20480x128xf32, #tpu.memory_space<hbm>> -> memref<640x128xf32, #tpu.memory_space<hbm>>
      %dma_wait3A_35 = arith.constant 0 : i32
      %dma_wait3A_36 = tpu.memref_slice %arg10[%mul3A_0, %dma_wait3A_35] : memref<10240x128xf32, #tpu.memory_space<vmem_shared>> -> memref<640x128xf32, #tpu.memory_space<vmem_shared>>
      tpu.wait_dma2 semaphore(%run_scoped3A : memref<!tpu.dma_semaphore, #tpu.memory_space<semaphore_mem>>) src(%dma_wait3A_36 : memref<640x128xf32, #tpu.memory_space<vmem_shared>>) dst(%dma_wait3A_34 : memref<640x128xf32, #tpu.memory_space<hbm>>)
      tpu.yield
    }) : () -> ()
    return
  }
}

#map = affine_map<(d0, d1) -> (0, 0)>
module attributes {stable_mosaic.version = 14 : i64} {
  func.func @body(%arg0: i32, %arg1: i32, %arg2: memref<10000x128xf32, #tpu.memory_space<hbm>>, %arg3: memref<2664x128xi32, #tpu.memory_space<hbm>>, %arg4: memref<2664x128xi32, #tpu.memory_space<hbm>>, %arg5: memref<640x128xf32, #tpu.memory_space<hbm>>, %arg6: memref<20480x128xf32, #tpu.memory_space<hbm>>, %arg7: memref<104x128xi32, #tpu.memory_space<vmem>>, %arg8: memref<104x128xi32, #tpu.memory_space<vmem>>, %arg9: memref<128x128xf32, #tpu.memory_space<vmem>>, %arg10: memref<10240x128xf32, #tpu.memory_space<vmem_shared>>, %arg11: memref<!tpu.dma_semaphore, #tpu.memory_space<semaphore_mem>>) attributes {dimension_semantics = [#tpu.dimension_semantics<core_parallel>, #tpu.dimension_semantics<subcore_parallel>], iteration_bounds = array<i64: 2, 16>, scalar_prefetch = 0 : i64, scratch_operands = 5 : i64, tpu.core_type = #tpu.core_type<sc_vector_subcore>, window_params = [{transform_indices = #map}, {transform_indices = #map}, {transform_indices = #map}, {transform_indices = #map}, {transform_indices = #map}]} {
    %mul3A = arith.constant 640 : i32
    %mul3A_0 = arith.muli %arg1, %mul3A : i32
    "tpu.region"() ({
      %run_scoped3A = tpu.sem_alloc : memref<!tpu.dma_semaphore, #tpu.memory_space<semaphore_mem>>
      %dma_start3A = arith.constant 0 : i32
      %dma_start3A_31 = tpu.memref_slice %arg10[%mul3A_0, %dma_start3A] : memref<10240x128xf32, #tpu.memory_space<vmem_shared>> -> memref<640x128xf32, #tpu.memory_space<vmem_shared>>
      tpu.enqueue_dma source(%arg5 : memref<640x128xf32, #tpu.memory_space<hbm>>) target(%dma_start3A_31 : memref<640x128xf32, #tpu.memory_space<vmem_shared>>) target_semaphore(%run_scoped3A : memref<!tpu.dma_semaphore, #tpu.memory_space<semaphore_mem>>)
      %dma_wait3A = arith.constant 0 : i32
      %dma_wait3A_32 = tpu.memref_slice %arg10[%mul3A_0, %dma_wait3A] : memref<10240x128xf32, #tpu.memory_space<vmem_shared>> -> memref<640x128xf32, #tpu.memory_space<vmem_shared>>
      tpu.wait_dma2 semaphore(%run_scoped3A : memref<!tpu.dma_semaphore, #tpu.memory_space<semaphore_mem>>) src(%arg5 : memref<640x128xf32, #tpu.memory_space<hbm>>) dst(%dma_wait3A_32 : memref<640x128xf32, #tpu.memory_space<vmem_shared>>)
      tpu.yield
    }) : () -> ()
    %eq3A = arith.constant 0 : i32
    %eq3A_1 = arith.cmpi eq, %arg0, %eq3A : i32
    %mul3A_2 = arith.constant 104 : i32
    %mul3A_3 = arith.muli %arg1, %mul3A_2 : i32
    %mul3A_4 = arith.constant 56 : i32
    %mul3A_5 = arith.muli %arg1, %mul3A_4 : i32
    %add3A = arith.constant 1664 : i32
    %add3A_6 = arith.addi %add3A, %mul3A_5 : i32
    %select_n3A = arith.select %eq3A_1, %mul3A_3, %add3A_6 : i32
    %eq3A_7 = arith.constant 0 : i32
    %eq3A_8 = arith.cmpi eq, %arg0, %eq3A_7 : i32
    %jit3A = arith.constant 104 : i32
    %jit3A_9 = arith.constant 56 : i32
    %select_n3A_10 = arith.select %eq3A_8, %jit3A, %jit3A_9 : i32
    "tpu.region"() ({
      %run_scoped3A = tpu.sem_alloc : memref<!tpu.dma_semaphore, #tpu.memory_space<semaphore_mem>>
      %dma_start3A = arith.constant 0 : i32
      %dma_start3A_31 = tpu.memref_slice %arg3[%select_n3A, %dma_start3A] : memref<2664x128xi32, #tpu.memory_space<hbm>> -> memref<104x128xi32, #tpu.memory_space<hbm>>
      %dma_start3A_32 = arith.constant 0 : i32
      %dma_start3A_33 = tpu.memref_slice %arg3[%select_n3A, %dma_start3A_32] : memref<2664x128xi32, #tpu.memory_space<hbm>> -> memref<104x128xi32, #tpu.memory_space<hbm>>
      tpu.enqueue_dma source(%dma_start3A_33 : memref<104x128xi32, #tpu.memory_space<hbm>>) target(%arg7 : memref<104x128xi32, #tpu.memory_space<vmem>>) target_semaphore(%run_scoped3A : memref<!tpu.dma_semaphore, #tpu.memory_space<semaphore_mem>>)
      %dma_wait3A = arith.constant 0 : i32
      %dma_wait3A_34 = tpu.memref_slice %arg3[%select_n3A, %dma_wait3A] : memref<2664x128xi32, #tpu.memory_space<hbm>> -> memref<104x128xi32, #tpu.memory_space<hbm>>
      %dma_wait3A_35 = arith.constant 0 : i32
      %dma_wait3A_36 = tpu.memref_slice %arg3[%select_n3A, %dma_wait3A_35] : memref<2664x128xi32, #tpu.memory_space<hbm>> -> memref<104x128xi32, #tpu.memory_space<hbm>>
      tpu.wait_dma2 semaphore(%run_scoped3A : memref<!tpu.dma_semaphore, #tpu.memory_space<semaphore_mem>>) src(%dma_wait3A_36 : memref<104x128xi32, #tpu.memory_space<hbm>>) dst(%arg7 : memref<104x128xi32, #tpu.memory_space<vmem>>)
      tpu.yield
    }) : () -> ()
    "tpu.region"() ({
      %run_scoped3A = tpu.sem_alloc : memref<!tpu.dma_semaphore, #tpu.memory_space<semaphore_mem>>
      %dma_start3A = arith.constant 0 : i32
      %dma_start3A_31 = tpu.memref_slice %arg4[%select_n3A, %dma_start3A] : memref<2664x128xi32, #tpu.memory_space<hbm>> -> memref<104x128xi32, #tpu.memory_space<hbm>>
      %dma_start3A_32 = arith.constant 0 : i32
      %dma_start3A_33 = tpu.memref_slice %arg4[%select_n3A, %dma_start3A_32] : memref<2664x128xi32, #tpu.memory_space<hbm>> -> memref<104x128xi32, #tpu.memory_space<hbm>>
      tpu.enqueue_dma source(%dma_start3A_33 : memref<104x128xi32, #tpu.memory_space<hbm>>) target(%arg8 : memref<104x128xi32, #tpu.memory_space<vmem>>) target_semaphore(%run_scoped3A : memref<!tpu.dma_semaphore, #tpu.memory_space<semaphore_mem>>)
      %dma_wait3A = arith.constant 0 : i32
      %dma_wait3A_34 = tpu.memref_slice %arg4[%select_n3A, %dma_wait3A] : memref<2664x128xi32, #tpu.memory_space<hbm>> -> memref<104x128xi32, #tpu.memory_space<hbm>>
      %dma_wait3A_35 = arith.constant 0 : i32
      %dma_wait3A_36 = tpu.memref_slice %arg4[%select_n3A, %dma_wait3A_35] : memref<2664x128xi32, #tpu.memory_space<hbm>> -> memref<104x128xi32, #tpu.memory_space<hbm>>
      tpu.wait_dma2 semaphore(%run_scoped3A : memref<!tpu.dma_semaphore, #tpu.memory_space<semaphore_mem>>) src(%dma_wait3A_36 : memref<104x128xi32, #tpu.memory_space<hbm>>) dst(%arg8 : memref<104x128xi32, #tpu.memory_space<vmem>>)
      tpu.yield
    }) : () -> ()
    %barrier3A = arith.constant 0 : index
    tpu.barrier barrier_id(%barrier3A)
    %sub3A = arith.constant 0 : i32
    %sub3A_11 = arith.subi %select_n3A_10, %sub3A : i32
    %sub3A_12 = arith.constant 1 : i32
    %sub3A_13 = arith.constant 1 : i32
    %sub3A_14 = arith.subi %sub3A_12, %sub3A_13 : i32
    %add3A_15 = arith.addi %sub3A_11, %sub3A_14 : i32
    %div3A = arith.constant 1 : i32
    %div3A_16 = arith.divsi %add3A_15, %div3A : i32
    %while3A = arith.constant 1 : i32
    %while3A_17 = arith.constant 0 : i32
    %while3A_18 = arith.constant 0 : i32
    %while3A_19 = arith.subi %div3A_16, %while3A_18 : i32
    %while3A_20 = arith.addi %while3A_18, %while3A_19 : i32
    %while3A_21 = arith.constant 1 : i32
    %while3A_22 = arith.divsi %while3A_19, %while3A_21 : i32
    %while3A_23 = arith.muli %while3A_22, %while3A_21 : i32
    %while3A_24 = arith.addi %while3A_18, %while3A_23 : i32
    %while3A_25 = arith.constant 1 : i32
    scf.for %while3A_31 = %while3A_18 to %while3A_24 step %while3A_25  : i32 {
      %mul3A_32 = arith.muli %while3A_31, %while3A : i32
      %add3A_33 = arith.addi %while3A_17, %mul3A_32 : i32
      %dma_start3A = arith.constant 0 : i32
      %dma_start3A_34 = tpu.memref_slice %arg7[%add3A_33, %dma_start3A] : memref<104x128xi32, #tpu.memory_space<vmem>> -> memref<1x128xi32, #tpu.memory_space<vmem>>
      %dma_start3A_35 = tpu.memref_squeeze %dma_start3A_34 : memref<1x128xi32, #tpu.memory_space<vmem>> -> memref<128xi32, #tpu.memory_space<vmem>>
      %dma_start3A_36 = arith.constant 0 : i32
      %dma_start3A_37 = arith.constant 0 : i32
      %dma_start3A_38 = tpu.memref_slice %arg2[%dma_start3A_36, %dma_start3A_37] : memref<10000x128xf32, #tpu.memory_space<hbm>> -> memref<10000x128xf32, #tpu.memory_space<hbm>>
      tpu.enqueue_indirect_dma source(%dma_start3A_38 : memref<10000x128xf32, #tpu.memory_space<hbm>>) target(%arg9 : memref<128x128xf32, #tpu.memory_space<vmem>>) offsets(%dma_start3A_35 : memref<128xi32, #tpu.memory_space<vmem>>) semaphore(%arg11 : memref<!tpu.dma_semaphore, #tpu.memory_space<semaphore_mem>>)
      %dma_wait3A = arith.constant 0 : i32
      %dma_wait3A_39 = tpu.memref_slice %arg7[%add3A_33, %dma_wait3A] : memref<104x128xi32, #tpu.memory_space<vmem>> -> memref<1x128xi32, #tpu.memory_space<vmem>>
      %dma_wait3A_40 = tpu.memref_squeeze %dma_wait3A_39 : memref<1x128xi32, #tpu.memory_space<vmem>> -> memref<128xi32, #tpu.memory_space<vmem>>
      %dma_wait3A_41 = arith.constant 0 : i32
      %dma_wait3A_42 = arith.constant 0 : i32
      %dma_wait3A_43 = tpu.memref_slice %arg2[%dma_wait3A_41, %dma_wait3A_42] : memref<10000x128xf32, #tpu.memory_space<hbm>> -> memref<10000x128xf32, #tpu.memory_space<hbm>>
      tpu.wait_indirect_dma semaphore(%arg11 : memref<!tpu.dma_semaphore, #tpu.memory_space<semaphore_mem>>) src(%dma_wait3A_43 : memref<10000x128xf32, #tpu.memory_space<hbm>>) dst(%arg9 : memref<128x128xf32, #tpu.memory_space<vmem>>)
      "tpu.region"() ({
        %run_scoped3A = tpu.sem_alloc : memref<!tpu.dma_semaphore, #tpu.memory_space<semaphore_mem>>
        %dma_start3A_44 = arith.constant 0 : i32
        %dma_start3A_45 = tpu.memref_slice %arg8[%add3A_33, %dma_start3A_44] : memref<104x128xi32, #tpu.memory_space<vmem>> -> memref<1x128xi32, #tpu.memory_space<vmem>>
        %dma_start3A_46 = tpu.memref_squeeze %dma_start3A_45 : memref<1x128xi32, #tpu.memory_space<vmem>> -> memref<128xi32, #tpu.memory_space<vmem>>
        %dma_start3A_47 = arith.constant 0 : i32
        %dma_start3A_48 = arith.constant 0 : i32
        %dma_start3A_49 = tpu.memref_slice %arg10[%dma_start3A_47, %dma_start3A_48] : memref<10240x128xf32, #tpu.memory_space<vmem_shared>> -> memref<10240x128xf32, #tpu.memory_space<vmem_shared>>
        tpu.enqueue_indirect_dma source(%arg9 : memref<128x128xf32, #tpu.memory_space<vmem>>) target(%dma_start3A_49 : memref<10240x128xf32, #tpu.memory_space<vmem_shared>>) offsets(%dma_start3A_46 : memref<128xi32, #tpu.memory_space<vmem>>) semaphore(%run_scoped3A : memref<!tpu.dma_semaphore, #tpu.memory_space<semaphore_mem>>) {add = true}
        %dma_wait3A_50 = arith.constant 0 : i32
        %dma_wait3A_51 = tpu.memref_slice %arg8[%add3A_33, %dma_wait3A_50] : memref<104x128xi32, #tpu.memory_space<vmem>> -> memref<1x128xi32, #tpu.memory_space<vmem>>
        %dma_wait3A_52 = tpu.memref_squeeze %dma_wait3A_51 : memref<1x128xi32, #tpu.memory_space<vmem>> -> memref<128xi32, #tpu.memory_space<vmem>>
        %dma_wait3A_53 = arith.constant 0 : i32
        %dma_wait3A_54 = arith.constant 0 : i32
        %dma_wait3A_55 = tpu.memref_slice %arg10[%dma_wait3A_53, %dma_wait3A_54] : memref<10240x128xf32, #tpu.memory_space<vmem_shared>> -> memref<10240x128xf32, #tpu.memory_space<vmem_shared>>
        tpu.wait_indirect_dma semaphore(%run_scoped3A : memref<!tpu.dma_semaphore, #tpu.memory_space<semaphore_mem>>) src(%arg9 : memref<128x128xf32, #tpu.memory_space<vmem>>) dst(%dma_wait3A_55 : memref<10240x128xf32, #tpu.memory_space<vmem_shared>>)
        tpu.yield
      }) : () -> ()
    }
    %while3A_26 = arith.constant 1 : i32
    scf.for %while3A_31 = %while3A_24 to %while3A_20 step %while3A_26  : i32 {
      %mul3A_32 = arith.muli %while3A_31, %while3A : i32
      %add3A_33 = arith.addi %while3A_17, %mul3A_32 : i32
      %dma_start3A = arith.constant 0 : i32
      %dma_start3A_34 = tpu.memref_slice %arg7[%add3A_33, %dma_start3A] : memref<104x128xi32, #tpu.memory_space<vmem>> -> memref<1x128xi32, #tpu.memory_space<vmem>>
      %dma_start3A_35 = tpu.memref_squeeze %dma_start3A_34 : memref<1x128xi32, #tpu.memory_space<vmem>> -> memref<128xi32, #tpu.memory_space<vmem>>
      %dma_start3A_36 = arith.constant 0 : i32
      %dma_start3A_37 = arith.constant 0 : i32
      %dma_start3A_38 = tpu.memref_slice %arg2[%dma_start3A_36, %dma_start3A_37] : memref<10000x128xf32, #tpu.memory_space<hbm>> -> memref<10000x128xf32, #tpu.memory_space<hbm>>
      tpu.enqueue_indirect_dma source(%dma_start3A_38 : memref<10000x128xf32, #tpu.memory_space<hbm>>) target(%arg9 : memref<128x128xf32, #tpu.memory_space<vmem>>) offsets(%dma_start3A_35 : memref<128xi32, #tpu.memory_space<vmem>>) semaphore(%arg11 : memref<!tpu.dma_semaphore, #tpu.memory_space<semaphore_mem>>)
      %dma_wait3A = arith.constant 0 : i32
      %dma_wait3A_39 = tpu.memref_slice %arg7[%add3A_33, %dma_wait3A] : memref<104x128xi32, #tpu.memory_space<vmem>> -> memref<1x128xi32, #tpu.memory_space<vmem>>
      %dma_wait3A_40 = tpu.memref_squeeze %dma_wait3A_39 : memref<1x128xi32, #tpu.memory_space<vmem>> -> memref<128xi32, #tpu.memory_space<vmem>>
      %dma_wait3A_41 = arith.constant 0 : i32
      %dma_wait3A_42 = arith.constant 0 : i32
      %dma_wait3A_43 = tpu.memref_slice %arg2[%dma_wait3A_41, %dma_wait3A_42] : memref<10000x128xf32, #tpu.memory_space<hbm>> -> memref<10000x128xf32, #tpu.memory_space<hbm>>
      tpu.wait_indirect_dma semaphore(%arg11 : memref<!tpu.dma_semaphore, #tpu.memory_space<semaphore_mem>>) src(%dma_wait3A_43 : memref<10000x128xf32, #tpu.memory_space<hbm>>) dst(%arg9 : memref<128x128xf32, #tpu.memory_space<vmem>>)
      "tpu.region"() ({
        %run_scoped3A = tpu.sem_alloc : memref<!tpu.dma_semaphore, #tpu.memory_space<semaphore_mem>>
        %dma_start3A_44 = arith.constant 0 : i32
        %dma_start3A_45 = tpu.memref_slice %arg8[%add3A_33, %dma_start3A_44] : memref<104x128xi32, #tpu.memory_space<vmem>> -> memref<1x128xi32, #tpu.memory_space<vmem>>
        %dma_start3A_46 = tpu.memref_squeeze %dma_start3A_45 : memref<1x128xi32, #tpu.memory_space<vmem>> -> memref<128xi32, #tpu.memory_space<vmem>>
        %dma_start3A_47 = arith.constant 0 : i32
        %dma_start3A_48 = arith.constant 0 : i32
        %dma_start3A_49 = tpu.memref_slice %arg10[%dma_start3A_47, %dma_start3A_48] : memref<10240x128xf32, #tpu.memory_space<vmem_shared>> -> memref<10240x128xf32, #tpu.memory_space<vmem_shared>>
        tpu.enqueue_indirect_dma source(%arg9 : memref<128x128xf32, #tpu.memory_space<vmem>>) target(%dma_start3A_49 : memref<10240x128xf32, #tpu.memory_space<vmem_shared>>) offsets(%dma_start3A_46 : memref<128xi32, #tpu.memory_space<vmem>>) semaphore(%run_scoped3A : memref<!tpu.dma_semaphore, #tpu.memory_space<semaphore_mem>>) {add = true}
        %dma_wait3A_50 = arith.constant 0 : i32
        %dma_wait3A_51 = tpu.memref_slice %arg8[%add3A_33, %dma_wait3A_50] : memref<104x128xi32, #tpu.memory_space<vmem>> -> memref<1x128xi32, #tpu.memory_space<vmem>>
        %dma_wait3A_52 = tpu.memref_squeeze %dma_wait3A_51 : memref<1x128xi32, #tpu.memory_space<vmem>> -> memref<128xi32, #tpu.memory_space<vmem>>
        %dma_wait3A_53 = arith.constant 0 : i32
        %dma_wait3A_54 = arith.constant 0 : i32
        %dma_wait3A_55 = tpu.memref_slice %arg10[%dma_wait3A_53, %dma_wait3A_54] : memref<10240x128xf32, #tpu.memory_space<vmem_shared>> -> memref<10240x128xf32, #tpu.memory_space<vmem_shared>>
        tpu.wait_indirect_dma semaphore(%run_scoped3A : memref<!tpu.dma_semaphore, #tpu.memory_space<semaphore_mem>>) src(%arg9 : memref<128x128xf32, #tpu.memory_space<vmem>>) dst(%dma_wait3A_55 : memref<10240x128xf32, #tpu.memory_space<vmem_shared>>)
        tpu.yield
      }) : () -> ()
    }
    %barrier3A_27 = arith.constant 0 : index
    tpu.barrier barrier_id(%barrier3A_27)
    %mul3A_28 = arith.constant 10240 : i32
    %mul3A_29 = arith.muli %arg0, %mul3A_28 : i32
    %add3A_30 = arith.addi %mul3A_29, %mul3A_0 : i32
    "tpu.region"() ({
      %run_scoped3A = tpu.sem_alloc : memref<!tpu.dma_semaphore, #tpu.memory_space<semaphore_mem>>
      %dma_start3A = arith.constant 0 : i32
      %dma_start3A_31 = tpu.memref_slice %arg6[%add3A_30, %dma_start3A] : memref<20480x128xf32, #tpu.memory_space<hbm>> -> memref<640x128xf32, #tpu.memory_space<hbm>>
      %dma_start3A_32 = arith.constant 0 : i32
      %dma_start3A_33 = tpu.memref_slice %arg10[%mul3A_0, %dma_start3A_32] : memref<10240x128xf32, #tpu.memory_space<vmem_shared>> -> memref<640x128xf32, #tpu.memory_space<vmem_shared>>
      tpu.enqueue_dma source(%dma_start3A_33 : memref<640x128xf32, #tpu.memory_space<vmem_shared>>) target(%dma_start3A_31 : memref<640x128xf32, #tpu.memory_space<hbm>>) target_semaphore(%run_scoped3A : memref<!tpu.dma_semaphore, #tpu.memory_space<semaphore_mem>>)
      %dma_wait3A = arith.constant 0 : i32
      %dma_wait3A_34 = tpu.memref_slice %arg6[%add3A_30, %dma_wait3A] : memref<20480x128xf32, #tpu.memory_space<hbm>> -> memref<640x128xf32, #tpu.memory_space<hbm>>
      %dma_wait3A_35 = arith.constant 0 : i32
      %dma_wait3A_36 = tpu.memref_slice %arg10[%mul3A_0, %dma_wait3A_35] : memref<10240x128xf32, #tpu.memory_space<vmem_shared>> -> memref<640x128xf32, #tpu.memory_space<vmem_shared>>
      tpu.wait_dma2 semaphore(%run_scoped3A : memref<!tpu.dma_semaphore, #tpu.memory_space<semaphore_mem>>) src(%dma_wait3A_36 : memref<640x128xf32, #tpu.memory_space<vmem_shared>>) dst(%dma_wait3A_34 : memref<640x128xf32, #tpu.memory_space<hbm>>)
      tpu.yield
    }) : () -> ()
    return
  }
}

module attributes {stable_mosaic.version = 14 : i64} {
  func.func @_tc_proj_body(%arg0: i32, %arg1: memref<1000x128xf32, #tpu.memory_space<vmem>>, %arg2: memref<128x128xf32, #tpu.memory_space<vmem>>, %arg3: memref<1x128xf32, #tpu.memory_space<vmem>>, %arg4: memref<1000x128xf32, #tpu.memory_space<vmem>>) attributes {dimension_semantics = [#tpu.dimension_semantics<arbitrary>], iteration_bounds = array<i64: 10>, scalar_prefetch = 0 : i64, scratch_operands = 0 : i64, tpu.core_type = #tpu.core_type<tc>, window_params = [{transform_indices = @transform_0, window_bounds = array<i64: 1000, 128>}, {pipeline_mode = #tpu.pipeline_mode<synchronous>, transform_indices = @transform_1, window_bounds = array<i64: 128, 128>}, {pipeline_mode = #tpu.pipeline_mode<synchronous>, transform_indices = @transform_2, window_bounds = array<i64: 1, 128>}, {transform_indices = @transform_3, window_bounds = array<i64: 1000, 128>}]} {
    %get3A = arith.constant 0 : index
    %get3A_0 = arith.constant 0 : index
    %get3A_1 = vector.load %arg1[%get3A, %get3A_0] : memref<1000x128xf32, #tpu.memory_space<vmem>>, vector<1000x128xf32>
    %get3A_2 = arith.constant 0 : index
    %get3A_3 = arith.constant 0 : index
    %get3A_4 = vector.load %arg2[%get3A_2, %get3A_3] : memref<128x128xf32, #tpu.memory_space<vmem>>, vector<128x128xf32>
    %dot_general3A = arith.constant dense<0.000000e+00> : vector<1000x128xf32>
    %dot_general3A_5 = tpu.matmul %get3A_1, %get3A_4, %dot_general3A {dimension_numbers = #tpu.dot_dimension_numbers<[1], [0], [0], [1], [0, 0, 1, 1], [], []>, precision = #tpu.contract_precision<fp32>, transpose_lhs_hint = false} : vector<1000x128xf32>, vector<128x128xf32>, vector<1000x128xf32> -> vector<1000x128xf32>
    %get3A_6 = arith.constant 0 : index
    %get3A_7 = arith.constant 0 : index
    %get3A_8 = vector.load %arg3[%get3A_6, %get3A_7] : memref<1x128xf32, #tpu.memory_space<vmem>>, vector<1x128xf32>
    %add3A = vector.broadcast %get3A_8 : vector<1x128xf32> to vector<1000x128xf32>
    %add3A_9 = arith.addf %dot_general3A_5, %add3A : vector<1000x128xf32>
    %swap3A = arith.constant 0 : index
    %swap3A_10 = arith.constant 0 : index
    %swap3A_11 = vector.load %arg4[%swap3A, %swap3A_10] : memref<1000x128xf32, #tpu.memory_space<vmem>>, vector<1000x128xf32>
    tpu.vector_store %arg4[%swap3A, %swap3A_10], %add3A_9 {strides = array<i32>} : memref<1000x128xf32, #tpu.memory_space<vmem>>, vector<1000x128xf32>,
    return
  }
  func.func @transform_0(%arg0: i32) -> (i32, i32) {
    %c0_i32 = arith.constant 0 : i32
    %c0_i32_0 = arith.constant 0 : i32
    return %arg0, %c0_i32 : i32, i32
  }
  func.func @transform_1(%arg0: i32) -> (i32, i32) {
    %c0_i32 = arith.constant 0 : i32
    %c0_i32_0 = arith.constant 0 : i32
    %c0_i32_1 = arith.constant 0 : i32
    return %c0_i32, %c0_i32_0 : i32, i32
  }
  func.func @transform_2(%arg0: i32) -> (i32, i32) {
    %c0_i32 = arith.constant 0 : i32
    %c0_i32_0 = arith.constant 0 : i32
    %c0_i32_1 = arith.constant 0 : i32
    return %c0_i32, %c0_i32_0 : i32, i32
  }
  func.func @transform_3(%arg0: i32) -> (i32, i32) {
    %c0_i32 = arith.constant 0 : i32
    %c0_i32_0 = arith.constant 0 : i32
    return %arg0, %c0_i32 : i32, i32
  }
}

module attributes {stable_mosaic.version = 14 : i64} {
  func.func @_tc_prep_body(%arg0: i32, %arg1: memref<1000x128xf32, #tpu.memory_space<vmem>>, %arg2: memref<1000x128xf32, #tpu.memory_space<vmem>>, %arg3: memref<1000x128xf32, #tpu.memory_space<vmem>>, %arg4: memref<1000x128xf32, #tpu.memory_space<vmem>>, %arg5: memref<1000x128xf32, #tpu.memory_space<vmem>>) attributes {dimension_semantics = [#tpu.dimension_semantics<arbitrary>], iteration_bounds = array<i64: 10>, scalar_prefetch = 0 : i64, scratch_operands = 0 : i64, tpu.core_type = #tpu.core_type<tc>, window_params = [{transform_indices = @transform_0, window_bounds = array<i64: 1000, 128>}, {transform_indices = @transform_1, window_bounds = array<i64: 1000, 128>}, {transform_indices = @transform_2, window_bounds = array<i64: 1000, 128>}, {transform_indices = @transform_3, window_bounds = array<i64: 1000, 128>}, {transform_indices = @transform_4, window_bounds = array<i64: 1000, 128>}]} {
    %get3A = arith.constant 0 : index
    %get3A_0 = arith.constant 0 : index
    %get3A_1 = vector.load %arg1[%get3A, %get3A_0] : memref<1000x128xf32, #tpu.memory_space<vmem>>, vector<1000x1xf32>
    %get3A_2 = arith.constant 0 : index
    %get3A_3 = arith.constant 0 : index
    %get3A_4 = vector.load %arg2[%get3A_2, %get3A_3] : memref<1000x128xf32, #tpu.memory_space<vmem>>, vector<1000x1xf32>
    %add3A = arith.addf %get3A_1, %get3A_4 : vector<1000x1xf32>
    %add3A_5 = arith.constant 1.000000e+00 : f32
    %add3A_6 = vector.broadcast %add3A_5 : f32 to vector<1000x1xf32>
    %add3A_7 = arith.addf %add3A, %add3A_6 : vector<1000x1xf32>
    %rsqrt3A = math.rsqrt %add3A_7 : vector<1000x1xf32>
    %broadcast_in_dim3A = vector.shape_cast %rsqrt3A : vector<1000x1xf32> to vector<1000x1xf32>
    %broadcast_in_dim3A_8 = vector.broadcast %broadcast_in_dim3A : vector<1000x1xf32> to vector<1000x128xf32>
    %swap3A = arith.constant 0 : index
    %swap3A_9 = arith.constant 0 : index
    %swap3A_10 = vector.load %arg4[%swap3A, %swap3A_9] : memref<1000x128xf32, #tpu.memory_space<vmem>>, vector<1000x128xf32>
    tpu.vector_store %arg4[%swap3A, %swap3A_9], %broadcast_in_dim3A_8 {strides = array<i32>} : memref<1000x128xf32, #tpu.memory_space<vmem>>, vector<1000x128xf32>,
    %get3A_11 = arith.constant 0 : index
    %get3A_12 = arith.constant 0 : index
    %get3A_13 = vector.load %arg3[%get3A_11, %get3A_12] : memref<1000x128xf32, #tpu.memory_space<vmem>>, vector<1000x128xf32>
    %mul3A = arith.mulf %get3A_13, %broadcast_in_dim3A_8 : vector<1000x128xf32>
    %swap3A_14 = arith.constant 0 : index
    %swap3A_15 = arith.constant 0 : index
    %swap3A_16 = vector.load %arg5[%swap3A_14, %swap3A_15] : memref<1000x128xf32, #tpu.memory_space<vmem>>, vector<1000x128xf32>
    tpu.vector_store %arg5[%swap3A_14, %swap3A_15], %mul3A {strides = array<i32>} : memref<1000x128xf32, #tpu.memory_space<vmem>>, vector<1000x128xf32>,
    return
  }
  func.func @transform_0(%arg0: i32) -> (i32, i32) {
    %c0_i32 = arith.constant 0 : i32
    %c0_i32_0 = arith.constant 0 : i32
    return %arg0, %c0_i32 : i32, i32
  }
  func.func @transform_1(%arg0: i32) -> (i32, i32) {
    %c0_i32 = arith.constant 0 : i32
    %c0_i32_0 = arith.constant 0 : i32
    return %arg0, %c0_i32 : i32, i32
  }
  func.func @transform_2(%arg0: i32) -> (i32, i32) {
    %c0_i32 = arith.constant 0 : i32
    %c0_i32_0 = arith.constant 0 : i32
    return %arg0, %c0_i32 : i32, i32
  }
  func.func @transform_3(%arg0: i32) -> (i32, i32) {
    %c0_i32 = arith.constant 0 : i32
    %c0_i32_0 = arith.constant 0 : i32
    return %arg0, %c0_i32 : i32, i32
  }
  func.func @transform_4(%arg0: i32) -> (i32, i32) {
    %c0_i32 = arith.constant 0 : i32
    %c0_i32_0 = arith.constant 0 : i32
    return %arg0, %c0_i32 : i32, i32
  }
}

module attributes {stable_mosaic.version = 14 : i64} {
  func.func @_tc_layer_body(%arg0: i32, %arg1: memref<1000x128xf32, #tpu.memory_space<vmem>>, %arg2: memref<1000x128xf32, #tpu.memory_space<vmem>>, %arg3: memref<1000x128xf32, #tpu.memory_space<vmem>>, %arg4: memref<1000x128xf32, #tpu.memory_space<vmem>>, %arg5: memref<1000x128xf32, #tpu.memory_space<vmem>>, %arg6: memref<128x128xf32, #tpu.memory_space<vmem>>, %arg7: memref<1000x128xf32, #tpu.memory_space<vmem>>) attributes {dimension_semantics = [#tpu.dimension_semantics<arbitrary>], iteration_bounds = array<i64: 10>, scalar_prefetch = 0 : i64, scratch_operands = 0 : i64, tpu.core_type = #tpu.core_type<tc>, window_params = [{transform_indices = @transform_0, window_bounds = array<i64: 1000, 128>}, {transform_indices = @transform_1, window_bounds = array<i64: 1000, 128>}, {transform_indices = @transform_2, window_bounds = array<i64: 1000, 128>}, {transform_indices = @transform_3, window_bounds = array<i64: 1000, 128>}, {transform_indices = @transform_4, window_bounds = array<i64: 1000, 128>}, {pipeline_mode = #tpu.pipeline_mode<synchronous>, transform_indices = @transform_5, window_bounds = array<i64: 128, 128>}, {transform_indices = @transform_6, window_bounds = array<i64: 1000, 128>}]} {
    %get3A = arith.constant 0 : index
    %get3A_0 = arith.constant 0 : index
    %get3A_1 = vector.load %arg5[%get3A, %get3A_0] : memref<1000x128xf32, #tpu.memory_space<vmem>>, vector<1000x128xf32>
    %get3A_2 = arith.constant 0 : index
    %get3A_3 = arith.constant 0 : index
    %get3A_4 = vector.load %arg1[%get3A_2, %get3A_3] : memref<1000x128xf32, #tpu.memory_space<vmem>>, vector<1000x128xf32>
    %get3A_5 = arith.constant 0 : index
    %get3A_6 = arith.constant 0 : index
    %get3A_7 = vector.load %arg2[%get3A_5, %get3A_6] : memref<1000x128xf32, #tpu.memory_space<vmem>>, vector<1000x128xf32>
    %add3A = arith.addf %get3A_4, %get3A_7 : vector<1000x128xf32>
    %get3A_8 = arith.constant 0 : index
    %get3A_9 = arith.constant 0 : index
    %get3A_10 = vector.load %arg3[%get3A_8, %get3A_9] : memref<1000x128xf32, #tpu.memory_space<vmem>>, vector<1000x128xf32>
    %add3A_11 = arith.addf %add3A, %get3A_10 : vector<1000x128xf32>
    %mul3A = arith.mulf %get3A_1, %add3A_11 : vector<1000x128xf32>
    %mul3A_12 = arith.constant 0.899999976 : f32
    %mul3A_13 = vector.broadcast %mul3A_12 : f32 to vector<1000x128xf32>
    %mul3A_14 = arith.mulf %mul3A, %mul3A_13 : vector<1000x128xf32>
    %get3A_15 = arith.constant 0 : index
    %get3A_16 = arith.constant 0 : index
    %get3A_17 = vector.load %arg4[%get3A_15, %get3A_16] : memref<1000x128xf32, #tpu.memory_space<vmem>>, vector<1000x128xf32>
    %mul3A_18 = arith.constant 1.000000e-01 : f32
    %mul3A_19 = vector.broadcast %mul3A_18 : f32 to vector<1000x128xf32>
    %mul3A_20 = arith.mulf %mul3A_19, %get3A_17 : vector<1000x128xf32>
    %add3A_21 = arith.addf %mul3A_14, %mul3A_20 : vector<1000x128xf32>
    %get3A_22 = arith.constant 0 : index
    %get3A_23 = arith.constant 0 : index
    %get3A_24 = vector.load %arg6[%get3A_22, %get3A_23] : memref<128x128xf32, #tpu.memory_space<vmem>>, vector<128x128xf32>
    %dot_general3A = arith.constant dense<0.000000e+00> : vector<1000x128xf32>
    %dot_general3A_25 = tpu.matmul %add3A_21, %get3A_24, %dot_general3A {dimension_numbers = #tpu.dot_dimension_numbers<[1], [0], [0], [1], [0, 0, 1, 1], [], []>, precision = #tpu.contract_precision<fp32>, transpose_lhs_hint = false} : vector<1000x128xf32>, vector<128x128xf32>, vector<1000x128xf32> -> vector<1000x128xf32>
    %mul3A_26 = arith.constant 0.594534874 : f32
    %mul3A_27 = vector.broadcast %mul3A_26 : f32 to vector<1000x128xf32>
    %mul3A_28 = arith.mulf %mul3A_27, %add3A_21 : vector<1000x128xf32>
    %mul3A_29 = arith.constant 0.405465096 : f32
    %mul3A_30 = vector.broadcast %mul3A_29 : f32 to vector<1000x128xf32>
    %mul3A_31 = arith.mulf %mul3A_30, %dot_general3A_25 : vector<1000x128xf32>
    %add3A_32 = arith.addf %mul3A_28, %mul3A_31 : vector<1000x128xf32>
    %max3A = arith.constant 0.000000e+00 : f32
    %max3A_33 = vector.broadcast %max3A : f32 to vector<1000x128xf32>
    %max3A_34 = arith.maximumf %add3A_32, %max3A_33 : vector<1000x128xf32>
    %mul3A_35 = arith.mulf %max3A_34, %get3A_1 : vector<1000x128xf32>
    %swap3A = arith.constant 0 : index
    %swap3A_36 = arith.constant 0 : index
    %swap3A_37 = vector.load %arg7[%swap3A, %swap3A_36] : memref<1000x128xf32, #tpu.memory_space<vmem>>, vector<1000x128xf32>
    tpu.vector_store %arg7[%swap3A, %swap3A_36], %mul3A_35 {strides = array<i32>} : memref<1000x128xf32, #tpu.memory_space<vmem>>, vector<1000x128xf32>,
    return
  }
  func.func @transform_0(%arg0: i32) -> (i32, i32) {
    %c0_i32 = arith.constant 0 : i32
    %c0_i32_0 = arith.constant 0 : i32
    return %arg0, %c0_i32 : i32, i32
  }
  func.func @transform_1(%arg0: i32) -> (i32, i32) {
    %c0_i32 = arith.constant 0 : i32
    %c0_i32_0 = arith.constant 0 : i32
    return %arg0, %c0_i32 : i32, i32
  }
  func.func @transform_2(%arg0: i32) -> (i32, i32) {
    %c0_i32 = arith.constant 0 : i32
    %c0_i32_0 = arith.constant 0 : i32
    return %arg0, %c0_i32 : i32, i32
  }
  func.func @transform_3(%arg0: i32) -> (i32, i32) {
    %c0_i32 = arith.constant 0 : i32
    %c0_i32_0 = arith.constant 0 : i32
    return %arg0, %c0_i32 : i32, i32
  }
  func.func @transform_4(%arg0: i32) -> (i32, i32) {
    %c0_i32 = arith.constant 0 : i32
    %c0_i32_0 = arith.constant 0 : i32
    return %arg0, %c0_i32 : i32, i32
  }
  func.func @transform_5(%arg0: i32) -> (i32, i32) {
    %c0_i32 = arith.constant 0 : i32
    %c0_i32_0 = arith.constant 0 : i32
    %c0_i32_1 = arith.constant 0 : i32
    return %c0_i32, %c0_i32_0 : i32, i32
  }
  func.func @transform_6(%arg0: i32) -> (i32, i32) {
    %c0_i32 = arith.constant 0 : i32
    %c0_i32_0 = arith.constant 0 : i32
    return %arg0, %c0_i32 : i32, i32
  }
}

module attributes {stable_mosaic.version = 14 : i64} {
  func.func @_tc_layer_body(%arg0: i32, %arg1: memref<1000x128xf32, #tpu.memory_space<vmem>>, %arg2: memref<1000x128xf32, #tpu.memory_space<vmem>>, %arg3: memref<1000x128xf32, #tpu.memory_space<vmem>>, %arg4: memref<1000x128xf32, #tpu.memory_space<vmem>>, %arg5: memref<1000x128xf32, #tpu.memory_space<vmem>>, %arg6: memref<128x128xf32, #tpu.memory_space<vmem>>, %arg7: memref<1000x128xf32, #tpu.memory_space<vmem>>) attributes {dimension_semantics = [#tpu.dimension_semantics<arbitrary>], iteration_bounds = array<i64: 10>, scalar_prefetch = 0 : i64, scratch_operands = 0 : i64, tpu.core_type = #tpu.core_type<tc>, window_params = [{transform_indices = @transform_0, window_bounds = array<i64: 1000, 128>}, {transform_indices = @transform_1, window_bounds = array<i64: 1000, 128>}, {transform_indices = @transform_2, window_bounds = array<i64: 1000, 128>}, {transform_indices = @transform_3, window_bounds = array<i64: 1000, 128>}, {transform_indices = @transform_4, window_bounds = array<i64: 1000, 128>}, {pipeline_mode = #tpu.pipeline_mode<synchronous>, transform_indices = @transform_5, window_bounds = array<i64: 128, 128>}, {transform_indices = @transform_6, window_bounds = array<i64: 1000, 128>}]} {
    %get3A = arith.constant 0 : index
    %get3A_0 = arith.constant 0 : index
    %get3A_1 = vector.load %arg5[%get3A, %get3A_0] : memref<1000x128xf32, #tpu.memory_space<vmem>>, vector<1000x128xf32>
    %get3A_2 = arith.constant 0 : index
    %get3A_3 = arith.constant 0 : index
    %get3A_4 = vector.load %arg1[%get3A_2, %get3A_3] : memref<1000x128xf32, #tpu.memory_space<vmem>>, vector<1000x128xf32>
    %get3A_5 = arith.constant 0 : index
    %get3A_6 = arith.constant 0 : index
    %get3A_7 = vector.load %arg2[%get3A_5, %get3A_6] : memref<1000x128xf32, #tpu.memory_space<vmem>>, vector<1000x128xf32>
    %add3A = arith.addf %get3A_4, %get3A_7 : vector<1000x128xf32>
    %get3A_8 = arith.constant 0 : index
    %get3A_9 = arith.constant 0 : index
    %get3A_10 = vector.load %arg3[%get3A_8, %get3A_9] : memref<1000x128xf32, #tpu.memory_space<vmem>>, vector<1000x128xf32>
    %add3A_11 = arith.addf %add3A, %get3A_10 : vector<1000x128xf32>
    %mul3A = arith.mulf %get3A_1, %add3A_11 : vector<1000x128xf32>
    %mul3A_12 = arith.constant 0.899999976 : f32
    %mul3A_13 = vector.broadcast %mul3A_12 : f32 to vector<1000x128xf32>
    %mul3A_14 = arith.mulf %mul3A, %mul3A_13 : vector<1000x128xf32>
    %get3A_15 = arith.constant 0 : index
    %get3A_16 = arith.constant 0 : index
    %get3A_17 = vector.load %arg4[%get3A_15, %get3A_16] : memref<1000x128xf32, #tpu.memory_space<vmem>>, vector<1000x128xf32>
    %mul3A_18 = arith.constant 1.000000e-01 : f32
    %mul3A_19 = vector.broadcast %mul3A_18 : f32 to vector<1000x128xf32>
    %mul3A_20 = arith.mulf %mul3A_19, %get3A_17 : vector<1000x128xf32>
    %add3A_21 = arith.addf %mul3A_14, %mul3A_20 : vector<1000x128xf32>
    %get3A_22 = arith.constant 0 : index
    %get3A_23 = arith.constant 0 : index
    %get3A_24 = vector.load %arg6[%get3A_22, %get3A_23] : memref<128x128xf32, #tpu.memory_space<vmem>>, vector<128x128xf32>
    %dot_general3A = arith.constant dense<0.000000e+00> : vector<1000x128xf32>
    %dot_general3A_25 = tpu.matmul %add3A_21, %get3A_24, %dot_general3A {dimension_numbers = #tpu.dot_dimension_numbers<[1], [0], [0], [1], [0, 0, 1, 1], [], []>, precision = #tpu.contract_precision<fp32>, transpose_lhs_hint = false} : vector<1000x128xf32>, vector<128x128xf32>, vector<1000x128xf32> -> vector<1000x128xf32>
    %mul3A_26 = arith.constant 0.776856422 : f32
    %mul3A_27 = vector.broadcast %mul3A_26 : f32 to vector<1000x128xf32>
    %mul3A_28 = arith.mulf %mul3A_27, %add3A_21 : vector<1000x128xf32>
    %mul3A_29 = arith.constant 0.223143548 : f32
    %mul3A_30 = vector.broadcast %mul3A_29 : f32 to vector<1000x128xf32>
    %mul3A_31 = arith.mulf %mul3A_30, %dot_general3A_25 : vector<1000x128xf32>
    %add3A_32 = arith.addf %mul3A_28, %mul3A_31 : vector<1000x128xf32>
    %max3A = arith.constant 0.000000e+00 : f32
    %max3A_33 = vector.broadcast %max3A : f32 to vector<1000x128xf32>
    %max3A_34 = arith.maximumf %add3A_32, %max3A_33 : vector<1000x128xf32>
    %mul3A_35 = arith.mulf %max3A_34, %get3A_1 : vector<1000x128xf32>
    %swap3A = arith.constant 0 : index
    %swap3A_36 = arith.constant 0 : index
    %swap3A_37 = vector.load %arg7[%swap3A, %swap3A_36] : memref<1000x128xf32, #tpu.memory_space<vmem>>, vector<1000x128xf32>
    tpu.vector_store %arg7[%swap3A, %swap3A_36], %mul3A_35 {strides = array<i32>} : memref<1000x128xf32, #tpu.memory_space<vmem>>, vector<1000x128xf32>,
    return
  }
  func.func @transform_0(%arg0: i32) -> (i32, i32) {
    %c0_i32 = arith.constant 0 : i32
    %c0_i32_0 = arith.constant 0 : i32
    return %arg0, %c0_i32 : i32, i32
  }
  func.func @transform_1(%arg0: i32) -> (i32, i32) {
    %c0_i32 = arith.constant 0 : i32
    %c0_i32_0 = arith.constant 0 : i32
    return %arg0, %c0_i32 : i32, i32
  }
  func.func @transform_2(%arg0: i32) -> (i32, i32) {
    %c0_i32 = arith.constant 0 : i32
    %c0_i32_0 = arith.constant 0 : i32
    return %arg0, %c0_i32 : i32, i32
  }
  func.func @transform_3(%arg0: i32) -> (i32, i32) {
    %c0_i32 = arith.constant 0 : i32
    %c0_i32_0 = arith.constant 0 : i32
    return %arg0, %c0_i32 : i32, i32
  }
  func.func @transform_4(%arg0: i32) -> (i32, i32) {
    %c0_i32 = arith.constant 0 : i32
    %c0_i32_0 = arith.constant 0 : i32
    return %arg0, %c0_i32 : i32, i32
  }
  func.func @transform_5(%arg0: i32) -> (i32, i32) {
    %c0_i32 = arith.constant 0 : i32
    %c0_i32_0 = arith.constant 0 : i32
    %c0_i32_1 = arith.constant 0 : i32
    return %c0_i32, %c0_i32_0 : i32, i32
  }
  func.func @transform_6(%arg0: i32) -> (i32, i32) {
    %c0_i32 = arith.constant 0 : i32
    %c0_i32_0 = arith.constant 0 : i32
    return %arg0, %c0_i32 : i32, i32
  }
}

module attributes {stable_mosaic.version = 14 : i64} {
  func.func @_tc_layer_body(%arg0: i32, %arg1: memref<1000x128xf32, #tpu.memory_space<vmem>>, %arg2: memref<1000x128xf32, #tpu.memory_space<vmem>>, %arg3: memref<1000x128xf32, #tpu.memory_space<vmem>>, %arg4: memref<1000x128xf32, #tpu.memory_space<vmem>>, %arg5: memref<1000x128xf32, #tpu.memory_space<vmem>>, %arg6: memref<128x128xf32, #tpu.memory_space<vmem>>, %arg7: memref<1000x128xf32, #tpu.memory_space<vmem>>) attributes {dimension_semantics = [#tpu.dimension_semantics<arbitrary>], iteration_bounds = array<i64: 10>, scalar_prefetch = 0 : i64, scratch_operands = 0 : i64, tpu.core_type = #tpu.core_type<tc>, window_params = [{transform_indices = @transform_0, window_bounds = array<i64: 1000, 128>}, {transform_indices = @transform_1, window_bounds = array<i64: 1000, 128>}, {transform_indices = @transform_2, window_bounds = array<i64: 1000, 128>}, {transform_indices = @transform_3, window_bounds = array<i64: 1000, 128>}, {transform_indices = @transform_4, window_bounds = array<i64: 1000, 128>}, {pipeline_mode = #tpu.pipeline_mode<synchronous>, transform_indices = @transform_5, window_bounds = array<i64: 128, 128>}, {transform_indices = @transform_6, window_bounds = array<i64: 1000, 128>}]} {
    %get3A = arith.constant 0 : index
    %get3A_0 = arith.constant 0 : index
    %get3A_1 = vector.load %arg5[%get3A, %get3A_0] : memref<1000x128xf32, #tpu.memory_space<vmem>>, vector<1000x128xf32>
    %get3A_2 = arith.constant 0 : index
    %get3A_3 = arith.constant 0 : index
    %get3A_4 = vector.load %arg1[%get3A_2, %get3A_3] : memref<1000x128xf32, #tpu.memory_space<vmem>>, vector<1000x128xf32>
    %get3A_5 = arith.constant 0 : index
    %get3A_6 = arith.constant 0 : index
    %get3A_7 = vector.load %arg2[%get3A_5, %get3A_6] : memref<1000x128xf32, #tpu.memory_space<vmem>>, vector<1000x128xf32>
    %add3A = arith.addf %get3A_4, %get3A_7 : vector<1000x128xf32>
    %get3A_8 = arith.constant 0 : index
    %get3A_9 = arith.constant 0 : index
    %get3A_10 = vector.load %arg3[%get3A_8, %get3A_9] : memref<1000x128xf32, #tpu.memory_space<vmem>>, vector<1000x128xf32>
    %add3A_11 = arith.addf %add3A, %get3A_10 : vector<1000x128xf32>
    %mul3A = arith.mulf %get3A_1, %add3A_11 : vector<1000x128xf32>
    %mul3A_12 = arith.constant 0.899999976 : f32
    %mul3A_13 = vector.broadcast %mul3A_12 : f32 to vector<1000x128xf32>
    %mul3A_14 = arith.mulf %mul3A, %mul3A_13 : vector<1000x128xf32>
    %get3A_15 = arith.constant 0 : index
    %get3A_16 = arith.constant 0 : index
    %get3A_17 = vector.load %arg4[%get3A_15, %get3A_16] : memref<1000x128xf32, #tpu.memory_space<vmem>>, vector<1000x128xf32>
    %mul3A_18 = arith.constant 1.000000e-01 : f32
    %mul3A_19 = vector.broadcast %mul3A_18 : f32 to vector<1000x128xf32>
    %mul3A_20 = arith.mulf %mul3A_19, %get3A_17 : vector<1000x128xf32>
    %add3A_21 = arith.addf %mul3A_14, %mul3A_20 : vector<1000x128xf32>
    %get3A_22 = arith.constant 0 : index
    %get3A_23 = arith.constant 0 : index
    %get3A_24 = vector.load %arg6[%get3A_22, %get3A_23] : memref<128x128xf32, #tpu.memory_space<vmem>>, vector<128x128xf32>
    %dot_general3A = arith.constant dense<0.000000e+00> : vector<1000x128xf32>
    %dot_general3A_25 = tpu.matmul %add3A_21, %get3A_24, %dot_general3A {dimension_numbers = #tpu.dot_dimension_numbers<[1], [0], [0], [1], [0, 0, 1, 1], [], []>, precision = #tpu.contract_precision<fp32>, transpose_lhs_hint = false} : vector<1000x128xf32>, vector<128x128xf32>, vector<1000x128xf32> -> vector<1000x128xf32>
    %mul3A_26 = arith.constant 0.845849335 : f32
    %mul3A_27 = vector.broadcast %mul3A_26 : f32 to vector<1000x128xf32>
    %mul3A_28 = arith.mulf %mul3A_27, %add3A_21 : vector<1000x128xf32>
    %mul3A_29 = arith.constant 0.15415068 : f32
    %mul3A_30 = vector.broadcast %mul3A_29 : f32 to vector<1000x128xf32>
    %mul3A_31 = arith.mulf %mul3A_30, %dot_general3A_25 : vector<1000x128xf32>
    %add3A_32 = arith.addf %mul3A_28, %mul3A_31 : vector<1000x128xf32>
    %max3A = arith.constant 0.000000e+00 : f32
    %max3A_33 = vector.broadcast %max3A : f32 to vector<1000x128xf32>
    %max3A_34 = arith.maximumf %add3A_32, %max3A_33 : vector<1000x128xf32>
    %mul3A_35 = arith.mulf %max3A_34, %get3A_1 : vector<1000x128xf32>
    %swap3A = arith.constant 0 : index
    %swap3A_36 = arith.constant 0 : index
    %swap3A_37 = vector.load %arg7[%swap3A, %swap3A_36] : memref<1000x128xf32, #tpu.memory_space<vmem>>, vector<1000x128xf32>
    tpu.vector_store %arg7[%swap3A, %swap3A_36], %mul3A_35 {strides = array<i32>} : memref<1000x128xf32, #tpu.memory_space<vmem>>, vector<1000x128xf32>,
    return
  }
  func.func @transform_0(%arg0: i32) -> (i32, i32) {
    %c0_i32 = arith.constant 0 : i32
    %c0_i32_0 = arith.constant 0 : i32
    return %arg0, %c0_i32 : i32, i32
  }
  func.func @transform_1(%arg0: i32) -> (i32, i32) {
    %c0_i32 = arith.constant 0 : i32
    %c0_i32_0 = arith.constant 0 : i32
    return %arg0, %c0_i32 : i32, i32
  }
  func.func @transform_2(%arg0: i32) -> (i32, i32) {
    %c0_i32 = arith.constant 0 : i32
    %c0_i32_0 = arith.constant 0 : i32
    return %arg0, %c0_i32 : i32, i32
  }
  func.func @transform_3(%arg0: i32) -> (i32, i32) {
    %c0_i32 = arith.constant 0 : i32
    %c0_i32_0 = arith.constant 0 : i32
    return %arg0, %c0_i32 : i32, i32
  }
  func.func @transform_4(%arg0: i32) -> (i32, i32) {
    %c0_i32 = arith.constant 0 : i32
    %c0_i32_0 = arith.constant 0 : i32
    return %arg0, %c0_i32 : i32, i32
  }
  func.func @transform_5(%arg0: i32) -> (i32, i32) {
    %c0_i32 = arith.constant 0 : i32
    %c0_i32_0 = arith.constant 0 : i32
    %c0_i32_1 = arith.constant 0 : i32
    return %c0_i32, %c0_i32_0 : i32, i32
  }
  func.func @transform_6(%arg0: i32) -> (i32, i32) {
    %c0_i32 = arith.constant 0 : i32
    %c0_i32_0 = arith.constant 0 : i32
    return %arg0, %c0_i32 : i32, i32
  }
}

module attributes {stable_mosaic.version = 14 : i64} {
  func.func @_tc_layer_body(%arg0: i32, %arg1: memref<1000x128xf32, #tpu.memory_space<vmem>>, %arg2: memref<1000x128xf32, #tpu.memory_space<vmem>>, %arg3: memref<1000x128xf32, #tpu.memory_space<vmem>>, %arg4: memref<1000x128xf32, #tpu.memory_space<vmem>>, %arg5: memref<1000x128xf32, #tpu.memory_space<vmem>>, %arg6: memref<128x128xf32, #tpu.memory_space<vmem>>, %arg7: memref<1000x128xf32, #tpu.memory_space<vmem>>) attributes {dimension_semantics = [#tpu.dimension_semantics<arbitrary>], iteration_bounds = array<i64: 10>, scalar_prefetch = 0 : i64, scratch_operands = 0 : i64, tpu.core_type = #tpu.core_type<tc>, window_params = [{transform_indices = @transform_0, window_bounds = array<i64: 1000, 128>}, {transform_indices = @transform_1, window_bounds = array<i64: 1000, 128>}, {transform_indices = @transform_2, window_bounds = array<i64: 1000, 128>}, {transform_indices = @transform_3, window_bounds = array<i64: 1000, 128>}, {transform_indices = @transform_4, window_bounds = array<i64: 1000, 128>}, {pipeline_mode = #tpu.pipeline_mode<synchronous>, transform_indices = @transform_5, window_bounds = array<i64: 128, 128>}, {transform_indices = @transform_6, window_bounds = array<i64: 1000, 128>}]} {
    %get3A = arith.constant 0 : index
    %get3A_0 = arith.constant 0 : index
    %get3A_1 = vector.load %arg5[%get3A, %get3A_0] : memref<1000x128xf32, #tpu.memory_space<vmem>>, vector<1000x128xf32>
    %get3A_2 = arith.constant 0 : index
    %get3A_3 = arith.constant 0 : index
    %get3A_4 = vector.load %arg1[%get3A_2, %get3A_3] : memref<1000x128xf32, #tpu.memory_space<vmem>>, vector<1000x128xf32>
    %get3A_5 = arith.constant 0 : index
    %get3A_6 = arith.constant 0 : index
    %get3A_7 = vector.load %arg2[%get3A_5, %get3A_6] : memref<1000x128xf32, #tpu.memory_space<vmem>>, vector<1000x128xf32>
    %add3A = arith.addf %get3A_4, %get3A_7 : vector<1000x128xf32>
    %get3A_8 = arith.constant 0 : index
    %get3A_9 = arith.constant 0 : index
    %get3A_10 = vector.load %arg3[%get3A_8, %get3A_9] : memref<1000x128xf32, #tpu.memory_space<vmem>>, vector<1000x128xf32>
    %add3A_11 = arith.addf %add3A, %get3A_10 : vector<1000x128xf32>
    %mul3A = arith.mulf %get3A_1, %add3A_11 : vector<1000x128xf32>
    %mul3A_12 = arith.constant 0.899999976 : f32
    %mul3A_13 = vector.broadcast %mul3A_12 : f32 to vector<1000x128xf32>
    %mul3A_14 = arith.mulf %mul3A, %mul3A_13 : vector<1000x128xf32>
    %get3A_15 = arith.constant 0 : index
    %get3A_16 = arith.constant 0 : index
    %get3A_17 = vector.load %arg4[%get3A_15, %get3A_16] : memref<1000x128xf32, #tpu.memory_space<vmem>>, vector<1000x128xf32>
    %mul3A_18 = arith.constant 1.000000e-01 : f32
    %mul3A_19 = vector.broadcast %mul3A_18 : f32 to vector<1000x128xf32>
    %mul3A_20 = arith.mulf %mul3A_19, %get3A_17 : vector<1000x128xf32>
    %add3A_21 = arith.addf %mul3A_14, %mul3A_20 : vector<1000x128xf32>
    %get3A_22 = arith.constant 0 : index
    %get3A_23 = arith.constant 0 : index
    %get3A_24 = vector.load %arg6[%get3A_22, %get3A_23] : memref<128x128xf32, #tpu.memory_space<vmem>>, vector<128x128xf32>
    %dot_general3A = arith.constant dense<0.000000e+00> : vector<1000x128xf32>
    %dot_general3A_25 = tpu.matmul %add3A_21, %get3A_24, %dot_general3A {dimension_numbers = #tpu.dot_dimension_numbers<[1], [0], [0], [1], [0, 0, 1, 1], [], []>, precision = #tpu.contract_precision<fp32>, transpose_lhs_hint = false} : vector<1000x128xf32>, vector<128x128xf32>, vector<1000x128xf32> -> vector<1000x128xf32>
    %mul3A_26 = arith.constant 0.882216989 : f32
    %mul3A_27 = vector.broadcast %mul3A_26 : f32 to vector<1000x128xf32>
    %mul3A_28 = arith.mulf %mul3A_27, %add3A_21 : vector<1000x128xf32>
    %mul3A_29 = arith.constant 0.117783032 : f32
    %mul3A_30 = vector.broadcast %mul3A_29 : f32 to vector<1000x128xf32>
    %mul3A_31 = arith.mulf %mul3A_30, %dot_general3A_25 : vector<1000x128xf32>
    %add3A_32 = arith.addf %mul3A_28, %mul3A_31 : vector<1000x128xf32>
    %swap3A = arith.constant 0 : index
    %swap3A_33 = arith.constant 0 : index
    %swap3A_34 = vector.load %arg7[%swap3A, %swap3A_33] : memref<1000x128xf32, #tpu.memory_space<vmem>>, vector<1000x128xf32>
    tpu.vector_store %arg7[%swap3A, %swap3A_33], %add3A_32 {strides = array<i32>} : memref<1000x128xf32, #tpu.memory_space<vmem>>, vector<1000x128xf32>,
    return
  }
  func.func @transform_0(%arg0: i32) -> (i32, i32) {
    %c0_i32 = arith.constant 0 : i32
    %c0_i32_0 = arith.constant 0 : i32
    return %arg0, %c0_i32 : i32, i32
  }
  func.func @transform_1(%arg0: i32) -> (i32, i32) {
    %c0_i32 = arith.constant 0 : i32
    %c0_i32_0 = arith.constant 0 : i32
    return %arg0, %c0_i32 : i32, i32
  }
  func.func @transform_2(%arg0: i32) -> (i32, i32) {
    %c0_i32 = arith.constant 0 : i32
    %c0_i32_0 = arith.constant 0 : i32
    return %arg0, %c0_i32 : i32, i32
  }
  func.func @transform_3(%arg0: i32) -> (i32, i32) {
    %c0_i32 = arith.constant 0 : i32
    %c0_i32_0 = arith.constant 0 : i32
    return %arg0, %c0_i32 : i32, i32
  }
  func.func @transform_4(%arg0: i32) -> (i32, i32) {
    %c0_i32 = arith.constant 0 : i32
    %c0_i32_0 = arith.constant 0 : i32
    return %arg0, %c0_i32 : i32, i32
  }
  func.func @transform_5(%arg0: i32) -> (i32, i32) {
    %c0_i32 = arith.constant 0 : i32
    %c0_i32_0 = arith.constant 0 : i32
    %c0_i32_1 = arith.constant 0 : i32
    return %c0_i32, %c0_i32_0 : i32, i32
  }
  func.func @transform_6(%arg0: i32) -> (i32, i32) {
    %c0_i32 = arith.constant 0 : i32
    %c0_i32_0 = arith.constant 0 : i32
    return %arg0, %c0_i32 : i32, i32
  }
}

</mosaic_0001>

<sc_bundles>
// kernel: kernel.13.cloned.1.call-start
scs
__scs_entry_jumppad:
0x0: {  	(pc) =	sbr.rel $0x88, $3  }
0x1: {  	(tag) =	ssettag $0x0;
	lr =	simm.s32 $0x1  }
0x2: {  	[smem:$0x3F9C] =	sst lr;
	_ =	strace $0xD0000000  }
0x3: {  	_ = 	snop  }
0x4: {  	_ = 	snop  }
0x5: {  	_ = 	snop  }
0x6: {  	_ = 	snop  }
0x7: {  	_ = 	snop  }
__scs_overlays_trampoline_lowered:
0x8: {  	[smem:$0x3FAB] =	sst s0  }
0x9: {  	[smem:$0x3FAC] =	sst s1  }
0xa: {  	[smem:$0x3FAD] =	sst s2  }
0xb: {  	[smem:$0x3FAE] =	sst s3  }
0xc: {  	[smem:$0x3FAF] =	sst s4  }
0xd: {  	[smem:$0x3FB0] =	sst s5  }
0xe: {  	[smem:$0x3FB1] =	sst s6  }
0xf: {  	[smem:$0x3FB2] =	sst s7  }
0x10: {  	[smem:$0x3FB3] =	sst s8  }
0x11: {  	[smem:$0x3FB4] =	sst s9;
	s0 =	simm.s32 @!p0 $0x0  }
0x12: {  	s1 =	sld [smem:$0x3F9A];
	s0 =	simm.s32 @p0 $0x1  }
0x13: {  	[smem:$0x3FB5] =	sst s0;
	s0 =	simm.s32 @!p1 $0x0  }
0x14: {  	s2 =	sld [smem:$0x3F99];
	s0 =	simm.s32 @p1 $0x1  }
0x15: {  	[smem:$0x3FB6] =	sst s0;
	s0 =	simm.s32 @!p2 $0x0  }
0x16: {  	s3 =	sld [smem:$0x3FDB];
	s0 =	simm.s32 @p2 $0x1  }
0x17: {  	s4 =	simm.s32 $0x1BF5;
	[smem:$0x3FB8] =	sst s0  }
0x18: {  	s0 =	sld [smem:$0x3F9B];
	_ =	swait.ge [sflag:s4], $0x0  }
0x19: {  	s7 =	sld [smem:$0x3F9C]  }
0x1a: {  	s8 =	sadd.s32 $0xFFFFE003, lr  }
0x1b: {  	s9 =	sadd.s32 $0xFFFFFEF7, lr;
	s5 =	simm.s32 $0xFFFFFFFF;
	p2 =	slt.u32 s8, $0xFFFFF086  }
0x1c: {  	p1 =	slt.u32 s9, $0xF7A;
	s5 =	simm.s32 @!p2 $0x0  }
0x1d: {  	s5 =	simm.s32 @p1 $0x1;
	p0 =	seq.s32 s7, s2  }
0x1e: {  	s7 =	smul.u32 @!p0 $0xF7A, s2;
	p2 =	seq.s32 @!p0 s5, $0x0  }
0x1f: {  	s9 =	smul.u32 $0xF7A, s1;
	s8 =	simm.s32 @!p0 $0x1BF5;
	p2 =	por !p2, p0  }
0x20: {  	[sflag:s8] =	ssyncset.s32 @!p0 $0xFFFFF086;
	s6 =	sadd.s32 @!p0 s3, s7;
	s7 =	simm.s32 @!p0 $0x108  }
0x21: {  	s3 =	sadd.s32 s3, s9;
	s6 =	sadd.s32 @!p0 $0x88, s6;
	s7 =	simm.s32 @p2 $0x1082  }
0x22: {  	[simem:s7], [sflag:s8] =	dma.local @!p0 [hbm:s6], $0xF7A  }
0x23: {  	s9 =	sor.u32 $0xD0000000, s2;
	s6 =	simm.s32 $0x108;
	_ =	swait.ge @!p0 [sflag:s8], $0x0  }
0x24: {  	s3 =	sadd.s32 $0x88, s3;
	s6 =	simm.s32 @!p1 $0x1082;
	[sflag:s4] =	ssyncset.s32 $0xFFFFF086  }
0x25: {  	[simem:s6], [sflag:s4] =	dma.local [hbm:s3], $0xF7A  }
0x26: {  	[smem:$0x3F9C] =	sst s1;
	(tag) =	ssettag s2;
	_ =	strace s9  }
0x27: {  	s1 =	sld [smem:$0x3FAC]  }
0x28: {  	s2 =	sld [smem:$0x3FAD]  }
0x29: {  	s4 =	sld [smem:$0x3FAF]  }
0x2a: {  	p0 =	seq.s32 s5, $0x0;
	s5 =	sld [smem:$0x3FB0]  }
0x2b: {  	s6 =	sld [smem:$0x3FB1]  }
0x2c: {  	s7 =	sld [smem:$0x3FB2]  }
0x2d: {  	s3 =	simm.s32 $0x108;
	s8 =	sld [smem:$0x3FB3]  }
0x2e: {  	s3 =	simm.s32 @!p0 $0x1082;
	s9 =	sld [smem:$0x3FB4]  }
0x2f: {  	lr =	sadd.s32 s0, s3;
	s0 =	sld [smem:$0x3FAB]  }
0x30: {  	s3 =	sld [smem:$0x3FAE]  }
0x31: {  	[smem:$0x3FB7] =	sst s10  }
0x32: {  	s10 =	sld [smem:$0x3FB5];
	_ =	sdelay $0x3  }
0x33: {  	p0 =	seq.s32 s10, $0x1;
	s10 =	sld [smem:$0x3FB7];
	_ =	sdelay $0x3  }
0x34: {  	[smem:$0x3FB7] =	sst s10  }
0x35: {  	s10 =	sld [smem:$0x3FB6];
	_ =	sdelay $0x3  }
0x36: {  	p1 =	seq.s32 s10, $0x1;
	s10 =	sld [smem:$0x3FB7];
	_ =	sdelay $0x3  }
0x37: {  	[smem:$0x3FB7] =	sst s10  }
0x38: {  	s10 =	sld [smem:$0x3FB8]  }
0x39: {  	_ = 	snop;
	(pc) =	sbr.ind lr, $3  }
0x3a: {  	_ = 	snop  }
0x3b: {  	_ = 	snop  }
0x3c: {  	p2 =	seq.s32 s10, $0x1;
	s10 =	sld [smem:$0x3FB7]  }
0x3d: {  	_ =	shalt  }
0x3e: {  	_ =	shalt  }
0x3f: {  	_ =	shalt  }
0x40: {  	_ =	shalt  }
0x41: {  	_ =	shalt  }
0x42: {  	_ =	shalt  }
0x43: {  	_ =	shalt  }
0x44: {  	_ =	shalt  }
0x45: {  	_ =	shalt  }
0x46: {  	_ =	shalt  }
0x47: {  	_ =	shalt  }
0x48: {  	_ =	shalt  }
0x49: {  	_ =	shalt  }
0x4a: {  	_ =	shalt  }
0x4b: {  	_ =	shalt  }
0x4c: {  	_ =	shalt  }
0x4d: {  	_ =	shalt  }
0x4e: {  	_ =	shalt  }
0x4f: {  	_ =	shalt  }
0x50: {  	_ =	shalt  }
0x51: {  	_ =	shalt  }
0x52: {  	_ =	shalt  }
0x53: {  	_ =	shalt  }
0x54: {  	_ =	shalt  }
0x55: {  	_ =	shalt  }
0x56: {  	_ =	shalt  }
0x57: {  	_ =	shalt  }
0x58: {  	_ =	shalt  }
0x59: {  	_ =	shalt  }
0x5a: {  	_ =	shalt  }
0x5b: {  	_ =	shalt  }
0x5c: {  	_ =	shalt  }
0x5d: {  	_ =	shalt  }
0x5e: {  	_ =	shalt  }
0x5f: {  	_ =	shalt  }
0x60: {  	_ =	shalt  }
0x61: {  	_ =	shalt  }
0x62: {  	_ =	shalt  }
0x63: {  	_ =	shalt  }
0x64: {  	_ =	shalt  }
0x65: {  	_ =	shalt  }
0x66: {  	_ =	shalt  }
0x67: {  	_ =	shalt  }
0x68: {  	_ =	shalt  }
0x69: {  	_ =	shalt  }
0x6a: {  	_ =	shalt  }
0x6b: {  	_ =	shalt  }
0x6c: {  	_ =	shalt  }
0x6d: {  	_ =	shalt  }
0x6e: {  	_ =	shalt  }
0x6f: {  	_ =	shalt  }
0x70: {  	_ =	shalt  }
0x71: {  	_ =	shalt  }
0x72: {  	_ =	shalt  }
0x73: {  	_ =	shalt  }
0x74: {  	_ =	shalt  }
0x75: {  	_ =	shalt  }
0x76: {  	_ =	shalt  }
0x77: {  	_ =	shalt  }
0x78: {  	_ =	shalt  }
0x79: {  	_ =	shalt  }
0x7a: {  	_ =	shalt  }
0x7b: {  	_ =	shalt  }
0x7c: {  	_ =	shalt  }
0x7d: {  	_ =	shalt  }
0x7e: {  	_ =	shalt  }
0x7f: {  	_ =	shalt  }
0x80: {  	_ =	shalt  }
0x81: {  	_ =	shalt  }
0x82: {  	_ =	shalt  }
0x83: {  	_ =	shalt  }
0x84: {  	_ =	shalt  }
0x85: {  	_ =	shalt  }
0x86: {  	_ =	shalt  }
0x87: {  	_ =	shalt  }
.Lfunc_end0:
.L_simem_size_0:
called_computation_lowered:
.L_overlay_start_0:
0x88: {  	s2 =	sld [smem:$0x3FD9]  }
0x89: {  	s3 =	sld [smem:$0x3FFE];
	_ =	sdelay $0x1  }
0x8a: {  	s1 =	srdreg.scid  }
0x8b: {  	s0 =	sand.u32 $0x1, s1  }
0x8c: {  	s16 =	sshll.u32 s0, $0xA;
	s2 =	sadd.s32 s3, s2  }
0x8d: {  	s2 =	sadd.s32 s2, s16  }
0x8e: {  	[smem:$0x3FC3] =	sst s2  }
0x8f: {  	_ = 	snop  }
0x90: {  	(tm) =	ssettm $0x1  }
0x91: {  	s17 =	sld [smem:$0x3FFB];
	_ =	sdelay $0x3  }
0x92: {  	_ =	strace s17  }
0x93: {  	s2 =	sld [smem:$0x3FFC];
	_ =	sdelay $0x3  }
0x94: {  	_ =	strace s2  }
0x95: {  	s2 =	sld [smem:$0x3FFD];
	_ =	sdelay $0x3  }
0x96: {  	_ =	strace s2  }
0x97: {  	_ =	strace $0x8FFFFFFF  }
0x98: {  	s18 =	sld [smem:$0x3FDB];
	_ =	sdelay $0x1  }
0x99: {  	s19 =	simm.s32 $_scs_section_size  }
0x9a: {  	s4 =	simm.s32 $_size__tile_overlayer_lowered;
	s5 =	simm.s32 $_tile_overlayer_lowered  }
0x9b: {  	s22 =	simm.s32 $0x1BFF;
	s21 =	sshll.u32 s5, $0x1;
	s2 =	sadd.s32 s19, s18  }
0x9c: {  	s6 =	simm.s32 $0x0;
	s20 =	sshll.u32 s4, $0x1;
	s4 =	sadd.s32 s21, s2  }
0x9d: {  	[timem:s6], [sflag:s22] =	dma.local [hbm:s4], s20  }
0x9e: {  	_ =	swait.ge [sflag:s22], s20  }
0x9f: {  	s3 =	ssub.s32 $0x0, s20;
	[sflag:s22] =	ssyncset.done $0x0  }
0xa0: {  	[sflag:s22] =	ssyncadd.s32 s3;
	_ =	sdelay $0x1  }
0xa1: {  	s23 =	simm.s32 $0x1B8B  }
0xa2: {  	_ =	swait.ge [sflag:s23], $0x1  }
0xa3: {  	[sflag:s23] =	ssyncset.done $0x0  }
0xa4: {  	s25 =	simm.s32 $0x1B8E;
	s24 =	sld [smem:$0x3FFE];
	[sflag:s23] =	ssyncadd.s32 $0xFFFFFFFF  }
0xa5: {  	s26 =	simm.s32 $execute0_lowered;
	[smem:$0x3FD2] =	sst s25  }
0xa6: {  	s4 =	sshll.u32 s26, $0x1;
	_ =	strace $0x80000046;
	[dreg:$0x1] =	wrdreg $0xFFFFFFFF  }
0xa7: {  	s28 =	simm.s32 $_size_execute0_lowered;
	s2 =	sadd.s32 s2, s4;
	[dreg:$0x0] =	wrdreg $0x0  }
0xa8: {  	s4 =	sshll.u32 s28, $0x1;
	[dreg:$0x2] =	wrdreg s2  }
0xa9: {  	[dreg:$0x3] =	wrdreg s4  }
0xaa: {  	[dreg:$0x4] =	wrdreg $0xC0  }
0xab: {  	_ =	task [dreg:s6], $0x5FFFF  }
0xac: {  	[dreg:$0x1] =	wrdreg $0xFFFFFFFF  }
0xad: {  	[dreg:$0x0] =	wrdreg $0x60  }
0xae: {  	[dreg:$0x2] =	wrdreg s24  }
0xaf: {  	[dreg:$0x3] =	wrdreg $0x54000  }
0xb0: {  	[dreg:$0x4] =	wrdreg $0x9  }
0xb1: {  	_ =	task.clear_ibuf [dreg:s6], $0x5FFFF;
	_ =	strace $0x90000046  }
0xb2: {  	s29 =	simm.s32 $0x9;
	_ =	strace $0x80000048  }
0xb3: {  	_ =	swait.ge [sflag:s29], $0x1  }
0xb4: {  	[sflag:s29] =	ssyncadd.s32 $0xFFFFFFFF  }
0xb5: {  	_ =	strace $0x90000048  }
0xb6: {  	_ =	sfence  }
0xb7: {  	s30 =	sld [smem:$0x0];
	_ =	sdelay $0x2  }
0xb8: {  	s31 =	sshll.u32 s1, $0xD;
	s1 =	sshrl.u32 s1, $0x2  }
0xb9: {  	s3 =	sand.u32 $0x4000, s31;
	s1 =	sadd.s32 s1, s30  }
0xba: {  	s0 =	sor.u32 s3, s0;
	s1 =	sshll.u32 s1, $0x11  }
0xbb: {  	s0 =	sor.u32 s1, s0  }
0xbc: {  	s0 =	sadd.s32 $0x8F2B, s0  }
0xbd: {  	[sflag:s0] =	ssyncadd.remote.s32 $0x1  }
0xbe: {  	_ =	sfence.sel $0xFFFF  }
0xbf: {  	[dreg:$0x0] =	wrdreg $0xFFFFFFFF;
	(pc) =	sbr.abs _section_cstart, $3  }
0xc0: {  	[dreg:$0x1] =	wrdreg $0xFFFFFFFF  }
0xc1: {  	_ =	task.clear_ibuf [dreg:s6], $0x2FFFF;
	_ =	strace $0x9FFFFFFF  }
0xc2: {  	(tm) =	ssettm $0x7FFFFFFF  }
0xc3: {  	_ =	shalt  }
tec
execute0_lowered:
.L_overlay_start_1:
0x0: {  	(tag) =	ssettag $0x1  }
0x1: {  	s6 =	rddreg [dreg:$0x0]  }
0x2: {  	s1 =	rddreg [dreg:$0x1]  }
0x3: {  	s0 =	rddreg [dreg:$0x2]  }
0x4: {  	s2 =	simm.s32 $0x0;
	s5 =	srdreg.scid;
	s3 =	stileid.u32  }
0x5: {  	s14 =	simm.s32 $0x80;
	s15 =	simm.s32 $0x0;
	[smem:$0x7FF] =	sst s2  }
0x6: {  	s7 =	sadd.s32 $0x10000, s6;
	s4 =	sadd.s32 $0x1D000, s6;
	s8 =	sand.u32 $0x1, s5  }
0x7: {  	s9 =	smul.u32 $0x2800, s3;
	s5 =	sadd.s32 $0x1A800, s6;
	s11 =	sshll.u32 s3, $0x1  }
0x8: {  	s24 =	smul.u32 $0x50000, s3;
	s28 =	sshll.u32 s3, $0x6;
	_ =	strace $0x80000047  }
0x9: {  	s10 =	smul.u32 $0x28000, s8;
	s12 =	ssub.s32 $0x2, s8;
	s8 =	sor.u32 s8, s11  }
0xa: {  	s25 =	sshrl.u32 s12, $0x1;
	s13 =	smul.u32 $0x2800, s8;
	s26 =	sshrl.u32 s24, $0x2  }
0xb: {  	s8 =	smul.u32 $0x500, s8;
	s9 =	sadd.s32 s9, s10;
	s10 =	ssub.s32 s12, s25  }
0xc: {  	s30 =	sadd.s32 s26, s1;
	s12 =	simm.s32 $0x1;
	s9 =	sadd.s32 s9, s6  }
0xd: {  	s29 =	sshrl.u32 s13, $0x3;
	s6 =	sor.u32 $0x1C01, s28;
	s10 =	smax.u32 s10, $0x1  }
0xe: {  	s11 =	sshrl.u32 s30, $0x3;
	s13 =	simm.s32 $0x1400;
	s31 =	sadd.s32 s7, s29  }
0xf: {  	s7 =	sadd.s32 s7, s8;
	s9 =	sadd.s32 $0x1D800, s9;
	s8 =	sadd.s32 $0x280, s31  }
.LBB2_1:
0x10: {  	[spmem:s11], [sflag:s6] =	dma.local [hbm:s5], $0x2800  }
0x11: {  	_ =	swait.ge [sflag:s12], $0x2800  }
0x12: {  	[sflag:s12] =	ssyncset.done $0x0  }
0x13: {  	[sflag:s12] =	ssyncadd.s32 $0xFFFFD800  }
0x14: {  	[tilespmem:s13], [sflag:$0x1] =	stream.linear.gather [hbm4b:s4+s2], $0x4000, $0x38;
	[tilespmem:$0x19400] =	vst v63  }
0x15: {  	_ =	swait.ge [sflag:s12], $0x4000  }
0x16: {  	[sflag:s12] =	ssyncset.done $0x0  }
0x17: {  	[sflag:s12] =	ssyncadd.s32 $0xFFFFC000  }
0x18: {  	[bflag:$0x0] =	sbarrier.arrive $0xFFFF  }
0x19: {  	[tilespmem:s2], [sflag:$0x1] =	stream.linear.gather [hbm4b:s7+s2], $0x1400, $0x38;
	[tilespmem:$0x19400] =	vst v63  }
0x1a: {  	_ =	swait.ge [sflag:s12], $0x1400  }
0x1b: {  	[sflag:s12] =	ssyncset.done $0x0  }
0x1c: {  	s16 =	simm.s32 $0x0;
	[sflag:s12] =	ssyncadd.s32 $0xFFFFEC00  }
0x1d: {  	[spmem:s1] =	stream.indirect.scatter.add.f32 [tilespmem:s13], [sflag:$0x1], $0x80, s16, s14, $0xb8;
	[tilespmem:$0x19400] =	vst v63  }
0x1e: {  	_ =	swait.ge [sflag:s12], $0x4000  }
0x1f: {  	s16 =	simm.s32 $0x200;
	[sflag:s12] =	ssyncset.done $0x0  }
.LBB2_2:
0x20: {  	s17 =	sshra.s32 s16, $0x2;
	[sflag:s12] =	ssyncadd.s32 $0xFFFFC000;
	p0 =	sne.s32 s16, $0x4E00  }
0x21: {  	[spmem:s1] =	stream.indirect.scatter.add.f32 [tilespmem:s13], [sflag:$0x1], $0x80, s17, s14, $0xb8;
	[tilespmem:$0x19400] =	vst v63  }
.Ltmp0:
0x22: {  	_ = 	snop;
	(pc) =	sbr.rel @p0 .LBB2_2-.Ltmp0, $4  }
0x23: {  	_ = 	snop  }
0x24: {  	s16 =	sadd.s32 $0x200, s16  }
0x25: {  	_ =	swait.ge [sflag:s12], $0x4000  }
0x26: {  	[sflag:s12] =	ssyncset.done $0x0  }
0x27: {  	[sflag:s12] =	ssyncadd.s32 $0xFFFFC000;
	s16 =	simm.s32 $0x0  }
0x28: {  	[tilespmem:s16], [sflag:$0x1] =	stream.linear.gather [hbm4b:s8+s16], $0x1400, $0x38;
	[tilespmem:$0x19400] =	vst v63  }
0x29: {  	_ =	swait.ge [sflag:s12], $0x1400  }
0x2a: {  	[sflag:s12] =	ssyncset.done $0x0  }
0x2b: {  	s31 =	simm.s32 $0x0;
	[sflag:s12] =	ssyncadd.s32 $0xFFFFEC00  }
0x2c: {  	[spmem:s1] =	stream.indirect.scatter.add.f32 [tilespmem:s13], [sflag:$0x1], $0x80, s31, s14, $0xb8;
	[tilespmem:$0x19400] =	vst v63  }
0x2d: {  	_ =	swait.ge [sflag:s12], $0x4000  }
0x2e: {  	s16 =	simm.s32 $0x200;
	[sflag:s12] =	ssyncset.done $0x0  }
.LBB2_4:
0x2f: {  	s17 =	sshra.s32 s16, $0x2;
	[sflag:s12] =	ssyncadd.s32 $0xFFFFC000;
	p0 =	sne.s32 s16, $0x4E00  }
0x30: {  	[spmem:s1] =	stream.indirect.scatter.add.f32 [tilespmem:s13], [sflag:$0x1], $0x80, s17, s14, $0xb8;
	[tilespmem:$0x19400] =	vst v63  }
.Ltmp1:
0x31: {  	_ = 	snop;
	(pc) =	sbr.rel @p0 .LBB2_4-.Ltmp1, $4  }
0x32: {  	_ = 	snop  }
0x33: {  	s16 =	sadd.s32 $0x200, s16  }
0x34: {  	_ =	swait.ge [sflag:s12], $0x4000  }
0x35: {  	[sflag:s12] =	ssyncset.done $0x0  }
0x36: {  	s15 =	sadd.s32 $0x1, s15  }
0x37: {  	[sflag:s12] =	ssyncadd.s32 $0xFFFFC000;
	p0 =	sne.s32 s15, s10  }
.Ltmp2:
0x38: {  	[bflag:$0x0] =	sbarrier.arrive $0xFFFF;
	(pc) =	sbr.rel @p0 .LBB2_1-.Ltmp2, $4  }
0x39: {  	[hbm:s9], [sflag:s6] =	dma.local [spmem:s11], $0x2800  }
0x3a: {  	_ =	swait.ge [sflag:s12], $0x2800  }
0x3b: {  	[sflag:s12] =	ssyncset.done $0x0  }
0x3c: {  	[sflag:s12] =	ssyncadd.s32 $0xFFFFD800  }
0x3d: {  	_ =	sfence.sel $0x180000  }
0x3e: {  	[bflag:$0x0] =	sbarrier.arrive $0xFFFF  }
0x3f: {  	p0 =	sne.s32 s3, $0x0;
	_ =	strace $0x90000047  }
0x40: {  	s0 =	sadd.s32 @!p0 $0x100000, s0;
	[bflag:$0x2] =	sbarrier.arrive $0xFFFF  }
0x41: {  	[sflag:s0] =	ssyncadd.tile.s32 @!p0 $0x1;
	_ =	shalt  }
.Lfunc_end2:
_tile_overlayer_lowered:
.L_overlay_start_2:
0x42: {  	(tag) =	ssettag $0x2  }
0x43: {  	s0 =	rddreg [dreg:$0x0];
	s2 =	stileid.u32  }
0x44: {  	s1 =	rddreg [dreg:$0x1];
	p0 =	sne.s32 s2, $0x0  }
0x45: {  	s3 =	rddreg [dreg:$0x2];
	[bflag:$0x3] =	sbarrier.arrive $0xFFFF;
	s2 =	simm.s32 @!p0 $0x1C01  }
0x46: {  	[timem:s3], [sflag:s2] =	dma.local @!p0 [hbm:s0], s1  }
0x47: {  	s0 =	simm.s32 @!p0 $0x1  }
0x48: {  	_ =	swait.ge @!p0 [sflag:s0], s1  }
0x49: {  	s1 =	ssub.s32 @!p0 $0x0, s1;
	[sflag:s0] =	ssyncset.done @!p0 $0x0  }
0x4a: {  	[sflag:s0] =	ssyncadd.s32 @!p0 s1  }
0x4b: {  	[bflag:$0x3] =	sbarrier.arrive $0xFFFF  }
0x4c: {  	_ =	shalt  }

// kernel: kernel.16.cloned.1.call-start
scs
__scs_entry_jumppad:
0x0: {  	(pc) =	sbr.rel $0x88, $3  }
0x1: {  	(tag) =	ssettag $0x0;
	lr =	simm.s32 $0x1  }
0x2: {  	[smem:$0x3F9C] =	sst lr;
	_ =	strace $0xD0000000  }
0x3: {  	_ = 	snop  }
0x4: {  	_ = 	snop  }
0x5: {  	_ = 	snop  }
0x6: {  	_ = 	snop  }
0x7: {  	_ = 	snop  }
__scs_overlays_trampoline_lowered:
0x8: {  	[smem:$0x3FAB] =	sst s0  }
0x9: {  	[smem:$0x3FAC] =	sst s1  }
0xa: {  	[smem:$0x3FAD] =	sst s2  }
0xb: {  	[smem:$0x3FAE] =	sst s3  }
0xc: {  	[smem:$0x3FAF] =	sst s4  }
0xd: {  	[smem:$0x3FB0] =	sst s5  }
0xe: {  	[smem:$0x3FB1] =	sst s6  }
0xf: {  	[smem:$0x3FB2] =	sst s7  }
0x10: {  	[smem:$0x3FB3] =	sst s8  }
0x11: {  	[smem:$0x3FB4] =	sst s9;
	s0 =	simm.s32 @!p0 $0x0  }
0x12: {  	s1 =	sld [smem:$0x3F9A];
	s0 =	simm.s32 @p0 $0x1  }
0x13: {  	[smem:$0x3FB5] =	sst s0;
	s0 =	simm.s32 @!p1 $0x0  }
0x14: {  	s2 =	sld [smem:$0x3F99];
	s0 =	simm.s32 @p1 $0x1  }
0x15: {  	[smem:$0x3FB6] =	sst s0;
	s0 =	simm.s32 @!p2 $0x0  }
0x16: {  	s3 =	sld [smem:$0x3FDB];
	s0 =	simm.s32 @p2 $0x1  }
0x17: {  	s4 =	simm.s32 $0x1BF5;
	[smem:$0x3FB8] =	sst s0  }
0x18: {  	s0 =	sld [smem:$0x3F9B];
	_ =	swait.ge [sflag:s4], $0x0  }
0x19: {  	s7 =	sld [smem:$0x3F9C]  }
0x1a: {  	s8 =	sadd.s32 $0xFFFFE003, lr  }
0x1b: {  	s9 =	sadd.s32 $0xFFFFFEF7, lr;
	s5 =	simm.s32 $0xFFFFFFFF;
	p2 =	slt.u32 s8, $0xFFFFF086  }
0x1c: {  	p1 =	slt.u32 s9, $0xF7A;
	s5 =	simm.s32 @!p2 $0x0  }
0x1d: {  	s5 =	simm.s32 @p1 $0x1;
	p0 =	seq.s32 s7, s2  }
0x1e: {  	s7 =	smul.u32 @!p0 $0xF7A, s2;
	p2 =	seq.s32 @!p0 s5, $0x0  }
0x1f: {  	s9 =	smul.u32 $0xF7A, s1;
	s8 =	simm.s32 @!p0 $0x1BF5;
	p2 =	por !p2, p0  }
0x20: {  	[sflag:s8] =	ssyncset.s32 @!p0 $0xFFFFF086;
	s6 =	sadd.s32 @!p0 s3, s7;
	s7 =	simm.s32 @!p0 $0x108  }
0x21: {  	s3 =	sadd.s32 s3, s9;
	s6 =	sadd.s32 @!p0 $0x88, s6;
	s7 =	simm.s32 @p2 $0x1082  }
0x22: {  	[simem:s7], [sflag:s8] =	dma.local @!p0 [hbm:s6], $0xF7A  }
0x23: {  	s9 =	sor.u32 $0xD0000000, s2;
	s6 =	simm.s32 $0x108;
	_ =	swait.ge @!p0 [sflag:s8], $0x0  }
0x24: {  	s3 =	sadd.s32 $0x88, s3;
	s6 =	simm.s32 @!p1 $0x1082;
	[sflag:s4] =	ssyncset.s32 $0xFFFFF086  }
0x25: {  	[simem:s6], [sflag:s4] =	dma.local [hbm:s3], $0xF7A  }
0x26: {  	[smem:$0x3F9C] =	sst s1;
	(tag) =	ssettag s2;
	_ =	strace s9  }
0x27: {  	s1 =	sld [smem:$0x3FAC]  }
0x28: {  	s2 =	sld [smem:$0x3FAD]  }
0x29: {  	s4 =	sld [smem:$0x3FAF]  }
0x2a: {  	p0 =	seq.s32 s5, $0x0;
	s5 =	sld [smem:$0x3FB0]  }
0x2b: {  	s6 =	sld [smem:$0x3FB1]  }
0x2c: {  	s7 =	sld [smem:$0x3FB2]  }
0x2d: {  	s3 =	simm.s32 $0x108;
	s8 =	sld [smem:$0x3FB3]  }
0x2e: {  	s3 =	simm.s32 @!p0 $0x1082;
	s9 =	sld [smem:$0x3FB4]  }
0x2f: {  	lr =	sadd.s32 s0, s3;
	s0 =	sld [smem:$0x3FAB]  }
0x30: {  	s3 =	sld [smem:$0x3FAE]  }
0x31: {  	[smem:$0x3FB7] =	sst s10  }
0x32: {  	s10 =	sld [smem:$0x3FB5];
	_ =	sdelay $0x3  }
0x33: {  	p0 =	seq.s32 s10, $0x1;
	s10 =	sld [smem:$0x3FB7];
	_ =	sdelay $0x3  }
0x34: {  	[smem:$0x3FB7] =	sst s10  }
0x35: {  	s10 =	sld [smem:$0x3FB6];
	_ =	sdelay $0x3  }
0x36: {  	p1 =	seq.s32 s10, $0x1;
	s10 =	sld [smem:$0x3FB7];
	_ =	sdelay $0x3  }
0x37: {  	[smem:$0x3FB7] =	sst s10  }
0x38: {  	s10 =	sld [smem:$0x3FB8]  }
0x39: {  	_ = 	snop;
	(pc) =	sbr.ind lr, $3  }
0x3a: {  	_ = 	snop  }
0x3b: {  	_ = 	snop  }
0x3c: {  	p2 =	seq.s32 s10, $0x1;
	s10 =	sld [smem:$0x3FB7]  }
0x3d: {  	_ =	shalt  }
0x3e: {  	_ =	shalt  }
0x3f: {  	_ =	shalt  }
0x40: {  	_ =	shalt  }
0x41: {  	_ =	shalt  }
0x42: {  	_ =	shalt  }
0x43: {  	_ =	shalt  }
0x44: {  	_ =	shalt  }
0x45: {  	_ =	shalt  }
0x46: {  	_ =	shalt  }
0x47: {  	_ =	shalt  }
0x48: {  	_ =	shalt  }
0x49: {  	_ =	shalt  }
0x4a: {  	_ =	shalt  }
0x4b: {  	_ =	shalt  }
0x4c: {  	_ =	shalt  }
0x4d: {  	_ =	shalt  }
0x4e: {  	_ =	shalt  }
0x4f: {  	_ =	shalt  }
0x50: {  	_ =	shalt  }
0x51: {  	_ =	shalt  }
0x52: {  	_ =	shalt  }
0x53: {  	_ =	shalt  }
0x54: {  	_ =	shalt  }
0x55: {  	_ =	shalt  }
0x56: {  	_ =	shalt  }
0x57: {  	_ =	shalt  }
0x58: {  	_ =	shalt  }
0x59: {  	_ =	shalt  }
0x5a: {  	_ =	shalt  }
0x5b: {  	_ =	shalt  }
0x5c: {  	_ =	shalt  }
0x5d: {  	_ =	shalt  }
0x5e: {  	_ =	shalt  }
0x5f: {  	_ =	shalt  }
0x60: {  	_ =	shalt  }
0x61: {  	_ =	shalt  }
0x62: {  	_ =	shalt  }
0x63: {  	_ =	shalt  }
0x64: {  	_ =	shalt  }
0x65: {  	_ =	shalt  }
0x66: {  	_ =	shalt  }
0x67: {  	_ =	shalt  }
0x68: {  	_ =	shalt  }
0x69: {  	_ =	shalt  }
0x6a: {  	_ =	shalt  }
0x6b: {  	_ =	shalt  }
0x6c: {  	_ =	shalt  }
0x6d: {  	_ =	shalt  }
0x6e: {  	_ =	shalt  }
0x6f: {  	_ =	shalt  }
0x70: {  	_ =	shalt  }
0x71: {  	_ =	shalt  }
0x72: {  	_ =	shalt  }
0x73: {  	_ =	shalt  }
0x74: {  	_ =	shalt  }
0x75: {  	_ =	shalt  }
0x76: {  	_ =	shalt  }
0x77: {  	_ =	shalt  }
0x78: {  	_ =	shalt  }
0x79: {  	_ =	shalt  }
0x7a: {  	_ =	shalt  }
0x7b: {  	_ =	shalt  }
0x7c: {  	_ =	shalt  }
0x7d: {  	_ =	shalt  }
0x7e: {  	_ =	shalt  }
0x7f: {  	_ =	shalt  }
0x80: {  	_ =	shalt  }
0x81: {  	_ =	shalt  }
0x82: {  	_ =	shalt  }
0x83: {  	_ =	shalt  }
0x84: {  	_ =	shalt  }
0x85: {  	_ =	shalt  }
0x86: {  	_ =	shalt  }
0x87: {  	_ =	shalt  }
.Lfunc_end0:
.L_simem_size_0:
called_computation.1_lowered:
.L_overlay_start_0:
0x88: {  	s2 =	sld [smem:$0x3FD9]  }
0x89: {  	s3 =	sld [smem:$0x3FFE];
	_ =	sdelay $0x1  }
0x8a: {  	s1 =	srdreg.scid  }
0x8b: {  	s0 =	sand.u32 $0x1, s1  }
0x8c: {  	s16 =	sshll.u32 s0, $0xA;
	s2 =	sadd.s32 s3, s2  }
0x8d: {  	s2 =	sadd.s32 s2, s16  }
0x8e: {  	[smem:$0x3FC3] =	sst s2  }
0x8f: {  	_ = 	snop  }
0x90: {  	(tm) =	ssettm $0x1  }
0x91: {  	s17 =	sld [smem:$0x3FFB];
	_ =	sdelay $0x3  }
0x92: {  	_ =	strace s17  }
0x93: {  	s2 =	sld [smem:$0x3FFC];
	_ =	sdelay $0x3  }
0x94: {  	_ =	strace s2  }
0x95: {  	s2 =	sld [smem:$0x3FFD];
	_ =	sdelay $0x3  }
0x96: {  	_ =	strace s2  }
0x97: {  	_ =	strace $0x8FFFFFFF  }
0x98: {  	s18 =	sld [smem:$0x3FDB];
	_ =	sdelay $0x1  }
0x99: {  	s19 =	simm.s32 $_scs_section_size  }
0x9a: {  	s4 =	simm.s32 $_size__tile_overlayer_lowered;
	s5 =	simm.s32 $_tile_overlayer_lowered  }
0x9b: {  	s22 =	simm.s32 $0x1BFF;
	s21 =	sshll.u32 s5, $0x1;
	s2 =	sadd.s32 s19, s18  }
0x9c: {  	s6 =	simm.s32 $0x0;
	s20 =	sshll.u32 s4, $0x1;
	s4 =	sadd.s32 s21, s2  }
0x9d: {  	[timem:s6], [sflag:s22] =	dma.local [hbm:s4], s20  }
0x9e: {  	_ =	swait.ge [sflag:s22], s20  }
0x9f: {  	s3 =	ssub.s32 $0x0, s20;
	[sflag:s22] =	ssyncset.done $0x0  }
0xa0: {  	[sflag:s22] =	ssyncadd.s32 s3;
	_ =	sdelay $0x1  }
0xa1: {  	s23 =	simm.s32 $0x1B8B  }
0xa2: {  	_ =	swait.ge [sflag:s23], $0x1  }
0xa3: {  	[sflag:s23] =	ssyncset.done $0x0  }
0xa4: {  	s25 =	simm.s32 $0x1B8E;
	s24 =	sld [smem:$0x3FFE];
	[sflag:s23] =	ssyncadd.s32 $0xFFFFFFFF  }
0xa5: {  	s26 =	simm.s32 $execute0_lowered;
	[smem:$0x3FD2] =	sst s25  }
0xa6: {  	s4 =	sshll.u32 s26, $0x1;
	_ =	strace $0x80000049;
	[dreg:$0x1] =	wrdreg $0xFFFFFFFF  }
0xa7: {  	s28 =	simm.s32 $_size_execute0_lowered;
	s2 =	sadd.s32 s2, s4;
	[dreg:$0x0] =	wrdreg $0x0  }
0xa8: {  	s4 =	sshll.u32 s28, $0x1;
	[dreg:$0x2] =	wrdreg s2  }
0xa9: {  	[dreg:$0x3] =	wrdreg s4  }
0xaa: {  	[dreg:$0x4] =	wrdreg $0xC0  }
0xab: {  	_ =	task [dreg:s6], $0x5FFFF  }
0xac: {  	[dreg:$0x1] =	wrdreg $0xFFFFFFFF  }
0xad: {  	[dreg:$0x0] =	wrdreg $0x60  }
0xae: {  	[dreg:$0x2] =	wrdreg s24  }
0xaf: {  	[dreg:$0x3] =	wrdreg $0xA8000  }
0xb0: {  	[dreg:$0x4] =	wrdreg $0x9  }
0xb1: {  	_ =	task.clear_ibuf [dreg:s6], $0x5FFFF;
	_ =	strace $0x90000049  }
0xb2: {  	s29 =	simm.s32 $0x9;
	_ =	strace $0x8000004B  }
0xb3: {  	_ =	swait.ge [sflag:s29], $0x1  }
0xb4: {  	[sflag:s29] =	ssyncadd.s32 $0xFFFFFFFF  }
0xb5: {  	_ =	strace $0x9000004B  }
0xb6: {  	_ =	sfence  }
0xb7: {  	s30 =	sld [smem:$0x0];
	_ =	sdelay $0x2  }
0xb8: {  	s31 =	sshll.u32 s1, $0xD;
	s1 =	sshrl.u32 s1, $0x2  }
0xb9: {  	s3 =	sand.u32 $0x4000, s31;
	s1 =	sadd.s32 s1, s30  }
0xba: {  	s0 =	sor.u32 s3, s0;
	s1 =	sshll.u32 s1, $0x11  }
0xbb: {  	s0 =	sor.u32 s1, s0  }
0xbc: {  	s0 =	sadd.s32 $0x8F2B, s0  }
0xbd: {  	[sflag:s0] =	ssyncadd.remote.s32 $0x1  }
0xbe: {  	_ =	sfence.sel $0xFFFF  }
0xbf: {  	[dreg:$0x0] =	wrdreg $0xFFFFFFFF;
	(pc) =	sbr.abs _section_cstart, $3  }
0xc0: {  	[dreg:$0x1] =	wrdreg $0xFFFFFFFF  }
0xc1: {  	_ =	task.clear_ibuf [dreg:s6], $0x2FFFF;
	_ =	strace $0x9FFFFFFF  }
0xc2: {  	(tm) =	ssettm $0x7FFFFFFF  }
0xc3: {  	_ =	shalt  }
tec
execute0_lowered:
.L_overlay_start_1:
0x0: {  	(tag) =	ssettag $0x1  }
0x1: {  	s6 =	rddreg [dreg:$0x0]  }
0x2: {  	s2 =	rddreg [dreg:$0x1]  }
0x3: {  	s0 =	rddreg [dreg:$0x2];
	s1 =	stileid.u32  }
0x4: {  	s4 =	srdreg.scid;
	s5 =	smul.u32 $0x38, s1  }
0x5: {  	s3 =	simm.s32 $0x0;
	s7 =	sand.u32 $0x1, s4;
	s4 =	smul.u32 $0x68, s1  }
0x6: {  	s15 =	simm.s32 $0x6800;
	s16 =	simm.s32 $0x1;
	s8 =	smul.u32 $0x2800, s1  }
0x7: {  	s17 =	simm.s32 $0x0;
	[smem:$0x7FF] =	sst s3;
	s11 =	smul.u32 $0x50000, s1  }
0x8: {  	s31 =	sshll.u32 s1, $0x6;
	p0 =	seq.s32 s7, $0x0;
	_ =	strace $0x8000004A  }
0x9: {  	s9 =	smul.u32 $0x28000, s7;
	s7 =	ssub.s32 $0x2, s7;
	s5 =	sadd.s32 $0x680, s5  }
0xa: {  	s29 =	sshrl.u32 s7, $0x1;
	s30 =	sshrl.u32 s11, $0x2;
	s5 =	smov.u32 @p0 s4  }
0xb: {  	s4 =	sadd.s32 $0x1D000, s6;
	s8 =	sadd.s32 s8, s9;
	s13 =	ssub.s32 s7, s29  }
0xc: {  	s14 =	sadd.s32 s30, s2;
	s7 =	sor.u32 $0x1C02, s31;
	s5 =	sshll.u32 s5, $0x4  }
0xd: {  	s12 =	sadd.s32 s8, s6;
	s11 =	smax.u32 s13, $0x1;
	s13 =	simm.s32 $0x2  }
0xe: {  	s10 =	sadd.s32 s5, s6;
	s5 =	sadd.s32 $0x1A800, s6;
	s6 =	simm.s32 $0x68  }
0xf: {  	s6 =	simm.s32 @!p0 $0x38;
	s8 =	sadd.s32 $0x5800, s10;
	s9 =	sadd.s32 $0x10000, s10  }
0x10: {  	s10 =	sadd.s32 $0x6B400, s12;
	s12 =	sshrl.u32 s14, $0x3;
	s14 =	simm.s32 $0x80  }
.LBB2_1:
0x11: {  	[spmem:s12], [sflag:s7] =	dma.local [hbm:s5], $0x2800  }
0x12: {  	_ =	swait.ge [sflag:s13], $0x2800  }
0x13: {  	[sflag:s13] =	ssyncset.done $0x0  }
0x14: {  	[sflag:s13] =	ssyncadd.s32 $0xFFFFD800  }
0x15: {  	[tilespmem:s3], [sflag:$0x2] =	stream.linear.gather [hbm4b:s8+s3], $0x3400, $0x38;
	[tilespmem:$0x1E800] =	vst v63  }
0x16: {  	_ =	swait.ge [sflag:s13], $0x3400  }
0x17: {  	[sflag:s13] =	ssyncset.done $0x0  }
0x18: {  	s18 =	simm.s32 $0x3400;
	[sflag:s13] =	ssyncadd.s32 $0xFFFFCC00  }
0x19: {  	[tilespmem:s18], [sflag:$0x2] =	stream.linear.gather [hbm4b:s9+s3], $0x3400, $0x38;
	[tilespmem:$0x1E800] =	vst v63  }
0x1a: {  	_ =	swait.ge [sflag:s13], $0x3400  }
0x1b: {  	[sflag:s13] =	ssyncset.done $0x0  }
0x1c: {  	[sflag:s13] =	ssyncadd.s32 $0xFFFFCC00  }
0x1d: {  	[bflag:$0x0] =	sbarrier.arrive $0xFFFF  }
0x1e: {  	[tilespmem:s15], [sflag:$0x1] =	stream.indirect.gather [hbm4b:s4+s14], $0x80, s3, s14, $0xb8;
	[tilespmem:$0x1E800] =	vst v63  }
0x1f: {  	p0 =	sne.s32 s6, $0x1;
	_ =	swait.ge [sflag:s16], $0x4000  }
.Ltmp0:
0x20: {  	[sflag:s16] =	ssyncset.done $0x0;
	(pc) =	sbr.rel @!p0 .LBB2_3-.Ltmp0, $4  }
0x21: {  	[sflag:s16] =	ssyncadd.s32 $0xFFFFC000  }
0x22: {  	[spmem:s2] =	stream.indirect.scatter.add.f32 [tilespmem:s15], [sflag:$0x2], $0x80, s18, s14, $0xb8;
	[tilespmem:$0x1E800] =	vst v63  }
0x23: {  	_ =	swait.ge [sflag:s13], $0x4000  }
0x24: {  	s19 =	sadd.s32 $0xFFFFFFFF, s6;
	s20 =	simm.s32 $0x0;
	[sflag:s13] =	ssyncset.done $0x0  }
.LBB2_2:
0x25: {  	[sflag:s13] =	ssyncadd.s32 $0xFFFFC000;
	s20 =	sadd.s32 $0x80, s20;
	s18 =	sadd.s32 $0x80, s18  }
0x26: {  	[tilespmem:s15], [sflag:$0x1] =	stream.indirect.gather [hbm4b:s4+s14], $0x80, s20, s14, $0xb8;
	[tilespmem:$0x1E800] =	vst v63  }
0x27: {  	p0 =	sne.s32 s19, $0x1;
	s19 =	sadd.s32 $0xFFFFFFFF, s19;
	_ =	swait.ge [sflag:s16], $0x4000  }
.Ltmp1:
0x28: {  	[sflag:s16] =	ssyncset.done $0x0;
	(pc) =	sbr.rel @p0 .LBB2_2-.Ltmp1, $4  }
0x29: {  	[sflag:s16] =	ssyncadd.s32 $0xFFFFC000  }
0x2a: {  	[spmem:s2] =	stream.indirect.scatter.add.f32 [tilespmem:s15], [sflag:$0x2], $0x80, s18, s14, $0xb8;
	[tilespmem:$0x1E800] =	vst v63  }
0x2b: {  	_ =	swait.ge [sflag:s13], $0x4000  }
0x2c: {  	[sflag:s13] =	ssyncset.done $0x0  }
.LBB2_3:
0x2d: {  	s17 =	sadd.s32 $0x1, s17  }
0x2e: {  	[sflag:s13] =	ssyncadd.s32 $0xFFFFC000;
	p0 =	sne.s32 s17, s11  }
.Ltmp2:
0x2f: {  	[bflag:$0x0] =	sbarrier.arrive $0xFFFF;
	(pc) =	sbr.rel @p0 .LBB2_1-.Ltmp2, $4  }
0x30: {  	[hbm:s10], [sflag:s7] =	dma.local [spmem:s12], $0x2800  }
0x31: {  	_ =	swait.ge [sflag:s13], $0x2800  }
0x32: {  	[sflag:s13] =	ssyncset.done $0x0  }
0x33: {  	[sflag:s13] =	ssyncadd.s32 $0xFFFFD800  }
0x34: {  	_ =	sfence.sel $0x180000  }
0x35: {  	[bflag:$0x0] =	sbarrier.arrive $0xFFFF  }
0x36: {  	p0 =	sne.s32 s1, $0x0;
	_ =	strace $0x9000004A  }
0x37: {  	s0 =	sadd.s32 @!p0 $0x100000, s0;
	[bflag:$0x2] =	sbarrier.arrive $0xFFFF  }
0x38: {  	[sflag:s0] =	ssyncadd.tile.s32 @!p0 $0x1;
	_ =	shalt  }
.Lfunc_end2:
_tile_overlayer_lowered:
.L_overlay_start_2:
0x39: {  	(tag) =	ssettag $0x2  }
0x3a: {  	s0 =	rddreg [dreg:$0x0];
	s2 =	stileid.u32  }
0x3b: {  	s1 =	rddreg [dreg:$0x1];
	p0 =	sne.s32 s2, $0x0  }
0x3c: {  	s3 =	rddreg [dreg:$0x2];
	[bflag:$0x3] =	sbarrier.arrive $0xFFFF;
	s2 =	simm.s32 @!p0 $0x1C02  }
0x3d: {  	[timem:s3], [sflag:s2] =	dma.local @!p0 [hbm:s0], s1  }
0x3e: {  	s0 =	simm.s32 @!p0 $0x2  }
0x3f: {  	_ =	swait.ge @!p0 [sflag:s0], s1  }
0x40: {  	s1 =	ssub.s32 @!p0 $0x0, s1;
	[sflag:s0] =	ssyncset.done @!p0 $0x0  }
0x41: {  	[sflag:s0] =	ssyncadd.s32 @!p0 s1  }
0x42: {  	[bflag:$0x3] =	sbarrier.arrive $0xFFFF  }
0x43: {  	_ =	shalt  }

// kernel: kernel.19.cloned.1.call-start
scs
__scs_entry_jumppad:
0x0: {  	(pc) =	sbr.rel $0x88, $3  }
0x1: {  	(tag) =	ssettag $0x0;
	lr =	simm.s32 $0x1  }
0x2: {  	[smem:$0x3F9C] =	sst lr;
	_ =	strace $0xD0000000  }
0x3: {  	_ = 	snop  }
0x4: {  	_ = 	snop  }
0x5: {  	_ = 	snop  }
0x6: {  	_ = 	snop  }
0x7: {  	_ = 	snop  }
__scs_overlays_trampoline_lowered:
0x8: {  	[smem:$0x3FAB] =	sst s0  }
0x9: {  	[smem:$0x3FAC] =	sst s1  }
0xa: {  	[smem:$0x3FAD] =	sst s2  }
0xb: {  	[smem:$0x3FAE] =	sst s3  }
0xc: {  	[smem:$0x3FAF] =	sst s4  }
0xd: {  	[smem:$0x3FB0] =	sst s5  }
0xe: {  	[smem:$0x3FB1] =	sst s6  }
0xf: {  	[smem:$0x3FB2] =	sst s7  }
0x10: {  	[smem:$0x3FB3] =	sst s8  }
0x11: {  	[smem:$0x3FB4] =	sst s9;
	s0 =	simm.s32 @!p0 $0x0  }
0x12: {  	s1 =	sld [smem:$0x3F9A];
	s0 =	simm.s32 @p0 $0x1  }
0x13: {  	[smem:$0x3FB5] =	sst s0;
	s0 =	simm.s32 @!p1 $0x0  }
0x14: {  	s2 =	sld [smem:$0x3F99];
	s0 =	simm.s32 @p1 $0x1  }
0x15: {  	[smem:$0x3FB6] =	sst s0;
	s0 =	simm.s32 @!p2 $0x0  }
0x16: {  	s3 =	sld [smem:$0x3FDB];
	s0 =	simm.s32 @p2 $0x1  }
0x17: {  	s4 =	simm.s32 $0x1BF5;
	[smem:$0x3FB8] =	sst s0  }
0x18: {  	s0 =	sld [smem:$0x3F9B];
	_ =	swait.ge [sflag:s4], $0x0  }
0x19: {  	s7 =	sld [smem:$0x3F9C]  }
0x1a: {  	s8 =	sadd.s32 $0xFFFFE003, lr  }
0x1b: {  	s9 =	sadd.s32 $0xFFFFFEF7, lr;
	s5 =	simm.s32 $0xFFFFFFFF;
	p2 =	slt.u32 s8, $0xFFFFF086  }
0x1c: {  	p1 =	slt.u32 s9, $0xF7A;
	s5 =	simm.s32 @!p2 $0x0  }
0x1d: {  	s5 =	simm.s32 @p1 $0x1;
	p0 =	seq.s32 s7, s2  }
0x1e: {  	s7 =	smul.u32 @!p0 $0xF7A, s2;
	p2 =	seq.s32 @!p0 s5, $0x0  }
0x1f: {  	s9 =	smul.u32 $0xF7A, s1;
	s8 =	simm.s32 @!p0 $0x1BF5;
	p2 =	por !p2, p0  }
0x20: {  	[sflag:s8] =	ssyncset.s32 @!p0 $0xFFFFF086;
	s6 =	sadd.s32 @!p0 s3, s7;
	s7 =	simm.s32 @!p0 $0x108  }
0x21: {  	s3 =	sadd.s32 s3, s9;
	s6 =	sadd.s32 @!p0 $0x88, s6;
	s7 =	simm.s32 @p2 $0x1082  }
0x22: {  	[simem:s7], [sflag:s8] =	dma.local @!p0 [hbm:s6], $0xF7A  }
0x23: {  	s9 =	sor.u32 $0xD0000000, s2;
	s6 =	simm.s32 $0x108;
	_ =	swait.ge @!p0 [sflag:s8], $0x0  }
0x24: {  	s3 =	sadd.s32 $0x88, s3;
	s6 =	simm.s32 @!p1 $0x1082;
	[sflag:s4] =	ssyncset.s32 $0xFFFFF086  }
0x25: {  	[simem:s6], [sflag:s4] =	dma.local [hbm:s3], $0xF7A  }
0x26: {  	[smem:$0x3F9C] =	sst s1;
	(tag) =	ssettag s2;
	_ =	strace s9  }
0x27: {  	s1 =	sld [smem:$0x3FAC]  }
0x28: {  	s2 =	sld [smem:$0x3FAD]  }
0x29: {  	s4 =	sld [smem:$0x3FAF]  }
0x2a: {  	p0 =	seq.s32 s5, $0x0;
	s5 =	sld [smem:$0x3FB0]  }
0x2b: {  	s6 =	sld [smem:$0x3FB1]  }
0x2c: {  	s7 =	sld [smem:$0x3FB2]  }
0x2d: {  	s3 =	simm.s32 $0x108;
	s8 =	sld [smem:$0x3FB3]  }
0x2e: {  	s3 =	simm.s32 @!p0 $0x1082;
	s9 =	sld [smem:$0x3FB4]  }
0x2f: {  	lr =	sadd.s32 s0, s3;
	s0 =	sld [smem:$0x3FAB]  }
0x30: {  	s3 =	sld [smem:$0x3FAE]  }
0x31: {  	[smem:$0x3FB7] =	sst s10  }
0x32: {  	s10 =	sld [smem:$0x3FB5];
	_ =	sdelay $0x3  }
0x33: {  	p0 =	seq.s32 s10, $0x1;
	s10 =	sld [smem:$0x3FB7];
	_ =	sdelay $0x3  }
0x34: {  	[smem:$0x3FB7] =	sst s10  }
0x35: {  	s10 =	sld [smem:$0x3FB6];
	_ =	sdelay $0x3  }
0x36: {  	p1 =	seq.s32 s10, $0x1;
	s10 =	sld [smem:$0x3FB7];
	_ =	sdelay $0x3  }
0x37: {  	[smem:$0x3FB7] =	sst s10  }
0x38: {  	s10 =	sld [smem:$0x3FB8]  }
0x39: {  	_ = 	snop;
	(pc) =	sbr.ind lr, $3  }
0x3a: {  	_ = 	snop  }
0x3b: {  	_ = 	snop  }
0x3c: {  	p2 =	seq.s32 s10, $0x1;
	s10 =	sld [smem:$0x3FB7]  }
0x3d: {  	_ =	shalt  }
0x3e: {  	_ =	shalt  }
0x3f: {  	_ =	shalt  }
0x40: {  	_ =	shalt  }
0x41: {  	_ =	shalt  }
0x42: {  	_ =	shalt  }
0x43: {  	_ =	shalt  }
0x44: {  	_ =	shalt  }
0x45: {  	_ =	shalt  }
0x46: {  	_ =	shalt  }
0x47: {  	_ =	shalt  }
0x48: {  	_ =	shalt  }
0x49: {  	_ =	shalt  }
0x4a: {  	_ =	shalt  }
0x4b: {  	_ =	shalt  }
0x4c: {  	_ =	shalt  }
0x4d: {  	_ =	shalt  }
0x4e: {  	_ =	shalt  }
0x4f: {  	_ =	shalt  }
0x50: {  	_ =	shalt  }
0x51: {  	_ =	shalt  }
0x52: {  	_ =	shalt  }
0x53: {  	_ =	shalt  }
0x54: {  	_ =	shalt  }
0x55: {  	_ =	shalt  }
0x56: {  	_ =	shalt  }
0x57: {  	_ =	shalt  }
0x58: {  	_ =	shalt  }
0x59: {  	_ =	shalt  }
0x5a: {  	_ =	shalt  }
0x5b: {  	_ =	shalt  }
0x5c: {  	_ =	shalt  }
0x5d: {  	_ =	shalt  }
0x5e: {  	_ =	shalt  }
0x5f: {  	_ =	shalt  }
0x60: {  	_ =	shalt  }
0x61: {  	_ =	shalt  }
0x62: {  	_ =	shalt  }
0x63: {  	_ =	shalt  }
0x64: {  	_ =	shalt  }
0x65: {  	_ =	shalt  }
0x66: {  	_ =	shalt  }
0x67: {  	_ =	shalt  }
0x68: {  	_ =	shalt  }
0x69: {  	_ =	shalt  }
0x6a: {  	_ =	shalt  }
0x6b: {  	_ =	shalt  }
0x6c: {  	_ =	shalt  }
0x6d: {  	_ =	shalt  }
0x6e: {  	_ =	shalt  }
0x6f: {  	_ =	shalt  }
0x70: {  	_ =	shalt  }
0x71: {  	_ =	shalt  }
0x72: {  	_ =	shalt  }
0x73: {  	_ =	shalt  }
0x74: {  	_ =	shalt  }
0x75: {  	_ =	shalt  }
0x76: {  	_ =	shalt  }
0x77: {  	_ =	shalt  }
0x78: {  	_ =	shalt  }
0x79: {  	_ =	shalt  }
0x7a: {  	_ =	shalt  }
0x7b: {  	_ =	shalt  }
0x7c: {  	_ =	shalt  }
0x7d: {  	_ =	shalt  }
0x7e: {  	_ =	shalt  }
0x7f: {  	_ =	shalt  }
0x80: {  	_ =	shalt  }
0x81: {  	_ =	shalt  }
0x82: {  	_ =	shalt  }
0x83: {  	_ =	shalt  }
0x84: {  	_ =	shalt  }
0x85: {  	_ =	shalt  }
0x86: {  	_ =	shalt  }
0x87: {  	_ =	shalt  }
.Lfunc_end0:
.L_simem_size_0:
called_computation.2_lowered:
.L_overlay_start_0:
0x88: {  	s2 =	sld [smem:$0x3FD9]  }
0x89: {  	s3 =	sld [smem:$0x3FFE];
	_ =	sdelay $0x1  }
0x8a: {  	s1 =	srdreg.scid  }
0x8b: {  	s0 =	sand.u32 $0x1, s1  }
0x8c: {  	s16 =	sshll.u32 s0, $0xA;
	s2 =	sadd.s32 s3, s2  }
0x8d: {  	s2 =	sadd.s32 s2, s16  }
0x8e: {  	[smem:$0x3FC3] =	sst s2  }
0x8f: {  	_ = 	snop  }
0x90: {  	(tm) =	ssettm $0x1  }
0x91: {  	s17 =	sld [smem:$0x3FFB];
	_ =	sdelay $0x3  }
0x92: {  	_ =	strace s17  }
0x93: {  	s2 =	sld [smem:$0x3FFC];
	_ =	sdelay $0x3  }
0x94: {  	_ =	strace s2  }
0x95: {  	s2 =	sld [smem:$0x3FFD];
	_ =	sdelay $0x3  }
0x96: {  	_ =	strace s2  }
0x97: {  	_ =	strace $0x8FFFFFFF  }
0x98: {  	s18 =	sld [smem:$0x3FDB];
	_ =	sdelay $0x1  }
0x99: {  	s19 =	simm.s32 $_scs_section_size  }
0x9a: {  	s4 =	simm.s32 $_size__tile_overlayer_lowered;
	s5 =	simm.s32 $_tile_overlayer_lowered  }
0x9b: {  	s22 =	simm.s32 $0x1BFF;
	s21 =	sshll.u32 s5, $0x1;
	s2 =	sadd.s32 s19, s18  }
0x9c: {  	s6 =	simm.s32 $0x0;
	s20 =	sshll.u32 s4, $0x1;
	s4 =	sadd.s32 s21, s2  }
0x9d: {  	[timem:s6], [sflag:s22] =	dma.local [hbm:s4], s20  }
0x9e: {  	_ =	swait.ge [sflag:s22], s20  }
0x9f: {  	s3 =	ssub.s32 $0x0, s20;
	[sflag:s22] =	ssyncset.done $0x0  }
0xa0: {  	[sflag:s22] =	ssyncadd.s32 s3;
	_ =	sdelay $0x1  }
0xa1: {  	s23 =	simm.s32 $0x1B8B  }
0xa2: {  	_ =	swait.ge [sflag:s23], $0x1  }
0xa3: {  	[sflag:s23] =	ssyncset.done $0x0  }
0xa4: {  	s25 =	simm.s32 $0x1B8E;
	s24 =	sld [smem:$0x3FFE];
	[sflag:s23] =	ssyncadd.s32 $0xFFFFFFFF  }
0xa5: {  	s26 =	simm.s32 $execute0_lowered;
	[smem:$0x3FD2] =	sst s25  }
0xa6: {  	s4 =	sshll.u32 s26, $0x1;
	_ =	strace $0x8000004C;
	[dreg:$0x1] =	wrdreg $0xFFFFFFFF  }
0xa7: {  	s28 =	simm.s32 $_size_execute0_lowered;
	s2 =	sadd.s32 s2, s4;
	[dreg:$0x0] =	wrdreg $0x0  }
0xa8: {  	s4 =	sshll.u32 s28, $0x1;
	[dreg:$0x2] =	wrdreg s2  }
0xa9: {  	[dreg:$0x3] =	wrdreg s4  }
0xaa: {  	[dreg:$0x4] =	wrdreg $0xC0  }
0xab: {  	_ =	task [dreg:s6], $0x5FFFF  }
0xac: {  	[dreg:$0x1] =	wrdreg $0xFFFFFFFF  }
0xad: {  	[dreg:$0x0] =	wrdreg $0x60  }
0xae: {  	[dreg:$0x2] =	wrdreg s24  }
0xaf: {  	[dreg:$0x3] =	wrdreg $0xA8000  }
0xb0: {  	[dreg:$0x4] =	wrdreg $0x9  }
0xb1: {  	_ =	task.clear_ibuf [dreg:s6], $0x5FFFF;
	_ =	strace $0x9000004C  }
0xb2: {  	s29 =	simm.s32 $0x9;
	_ =	strace $0x8000004E  }
0xb3: {  	_ =	swait.ge [sflag:s29], $0x1  }
0xb4: {  	[sflag:s29] =	ssyncadd.s32 $0xFFFFFFFF  }
0xb5: {  	_ =	strace $0x9000004E  }
0xb6: {  	_ =	sfence  }
0xb7: {  	s30 =	sld [smem:$0x0];
	_ =	sdelay $0x2  }
0xb8: {  	s31 =	sshll.u32 s1, $0xD;
	s1 =	sshrl.u32 s1, $0x2  }
0xb9: {  	s3 =	sand.u32 $0x4000, s31;
	s1 =	sadd.s32 s1, s30  }
0xba: {  	s0 =	sor.u32 s3, s0;
	s1 =	sshll.u32 s1, $0x11  }
0xbb: {  	s0 =	sor.u32 s1, s0  }
0xbc: {  	s0 =	sadd.s32 $0x8F2B, s0  }
0xbd: {  	[sflag:s0] =	ssyncadd.remote.s32 $0x1  }
0xbe: {  	_ =	sfence.sel $0xFFFF  }
0xbf: {  	[dreg:$0x0] =	wrdreg $0xFFFFFFFF;
	(pc) =	sbr.abs _section_cstart, $3  }
0xc0: {  	[dreg:$0x1] =	wrdreg $0xFFFFFFFF  }
0xc1: {  	_ =	task.clear_ibuf [dreg:s6], $0x2FFFF;
	_ =	strace $0x9FFFFFFF  }
0xc2: {  	(tm) =	ssettm $0x7FFFFFFF  }
0xc3: {  	_ =	shalt  }
tec
execute0_lowered:
.L_overlay_start_1:
0x0: {  	(tag) =	ssettag $0x1  }
0x1: {  	s6 =	rddreg [dreg:$0x0]  }
0x2: {  	s2 =	rddreg [dreg:$0x1]  }
0x3: {  	s0 =	rddreg [dreg:$0x2];
	s1 =	stileid.u32  }
0x4: {  	s4 =	srdreg.scid;
	s5 =	smul.u32 $0x38, s1  }
0x5: {  	s3 =	simm.s32 $0x0;
	s7 =	sand.u32 $0x1, s4;
	s4 =	smul.u32 $0x68, s1  }
0x6: {  	s15 =	simm.s32 $0x6800;
	s16 =	simm.s32 $0x1;
	s8 =	smul.u32 $0x2800, s1  }
0x7: {  	s17 =	simm.s32 $0x0;
	[smem:$0x7FF] =	sst s3;
	s11 =	smul.u32 $0x50000, s1  }
0x8: {  	s31 =	sshll.u32 s1, $0x6;
	p0 =	seq.s32 s7, $0x0;
	_ =	strace $0x8000004D  }
0x9: {  	s9 =	smul.u32 $0x28000, s7;
	s7 =	ssub.s32 $0x2, s7;
	s5 =	sadd.s32 $0x680, s5  }
0xa: {  	s29 =	sshrl.u32 s7, $0x1;
	s30 =	sshrl.u32 s11, $0x2;
	s5 =	smov.u32 @p0 s4  }
0xb: {  	s4 =	sadd.s32 $0x1D000, s6;
	s8 =	sadd.s32 s8, s9;
	s13 =	ssub.s32 s7, s29  }
0xc: {  	s14 =	sadd.s32 s30, s2;
	s7 =	sor.u32 $0x1C02, s31;
	s5 =	sshll.u32 s5, $0x4  }
0xd: {  	s12 =	sadd.s32 s8, s6;
	s11 =	smax.u32 s13, $0x1;
	s13 =	simm.s32 $0x2  }
0xe: {  	s10 =	sadd.s32 s5, s6;
	s5 =	sadd.s32 $0x1A800, s6;
	s6 =	simm.s32 $0x68  }
0xf: {  	s6 =	simm.s32 @!p0 $0x38;
	s8 =	sadd.s32 $0x5800, s10;
	s9 =	sadd.s32 $0x10000, s10  }
0x10: {  	s10 =	sadd.s32 $0x6B400, s12;
	s12 =	sshrl.u32 s14, $0x3;
	s14 =	simm.s32 $0x80  }
.LBB2_1:
0x11: {  	[spmem:s12], [sflag:s7] =	dma.local [hbm:s5], $0x2800  }
0x12: {  	_ =	swait.ge [sflag:s13], $0x2800  }
0x13: {  	[sflag:s13] =	ssyncset.done $0x0  }
0x14: {  	[sflag:s13] =	ssyncadd.s32 $0xFFFFD800  }
0x15: {  	[tilespmem:s3], [sflag:$0x2] =	stream.linear.gather [hbm4b:s8+s3], $0x3400, $0x38;
	[tilespmem:$0x1E800] =	vst v63  }
0x16: {  	_ =	swait.ge [sflag:s13], $0x3400  }
0x17: {  	[sflag:s13] =	ssyncset.done $0x0  }
0x18: {  	s18 =	simm.s32 $0x3400;
	[sflag:s13] =	ssyncadd.s32 $0xFFFFCC00  }
0x19: {  	[tilespmem:s18], [sflag:$0x2] =	stream.linear.gather [hbm4b:s9+s3], $0x3400, $0x38;
	[tilespmem:$0x1E800] =	vst v63  }
0x1a: {  	_ =	swait.ge [sflag:s13], $0x3400  }
0x1b: {  	[sflag:s13] =	ssyncset.done $0x0  }
0x1c: {  	[sflag:s13] =	ssyncadd.s32 $0xFFFFCC00  }
0x1d: {  	[bflag:$0x0] =	sbarrier.arrive $0xFFFF  }
0x1e: {  	[tilespmem:s15], [sflag:$0x1] =	stream.indirect.gather [hbm4b:s4+s14], $0x80, s3, s14, $0xb8;
	[tilespmem:$0x1E800] =	vst v63  }
0x1f: {  	p0 =	sne.s32 s6, $0x1;
	_ =	swait.ge [sflag:s16], $0x4000  }
.Ltmp0:
0x20: {  	[sflag:s16] =	ssyncset.done $0x0;
	(pc) =	sbr.rel @!p0 .LBB2_3-.Ltmp0, $4  }
0x21: {  	[sflag:s16] =	ssyncadd.s32 $0xFFFFC000  }
0x22: {  	[spmem:s2] =	stream.indirect.scatter.add.f32 [tilespmem:s15], [sflag:$0x2], $0x80, s18, s14, $0xb8;
	[tilespmem:$0x1E800] =	vst v63  }
0x23: {  	_ =	swait.ge [sflag:s13], $0x4000  }
0x24: {  	s19 =	sadd.s32 $0xFFFFFFFF, s6;
	s20 =	simm.s32 $0x0;
	[sflag:s13] =	ssyncset.done $0x0  }
.LBB2_2:
0x25: {  	[sflag:s13] =	ssyncadd.s32 $0xFFFFC000;
	s20 =	sadd.s32 $0x80, s20;
	s18 =	sadd.s32 $0x80, s18  }
0x26: {  	[tilespmem:s15], [sflag:$0x1] =	stream.indirect.gather [hbm4b:s4+s14], $0x80, s20, s14, $0xb8;
	[tilespmem:$0x1E800] =	vst v63  }
0x27: {  	p0 =	sne.s32 s19, $0x1;
	s19 =	sadd.s32 $0xFFFFFFFF, s19;
	_ =	swait.ge [sflag:s16], $0x4000  }
.Ltmp1:
0x28: {  	[sflag:s16] =	ssyncset.done $0x0;
	(pc) =	sbr.rel @p0 .LBB2_2-.Ltmp1, $4  }
0x29: {  	[sflag:s16] =	ssyncadd.s32 $0xFFFFC000  }
0x2a: {  	[spmem:s2] =	stream.indirect.scatter.add.f32 [tilespmem:s15], [sflag:$0x2], $0x80, s18, s14, $0xb8;
	[tilespmem:$0x1E800] =	vst v63  }
0x2b: {  	_ =	swait.ge [sflag:s13], $0x4000  }
0x2c: {  	[sflag:s13] =	ssyncset.done $0x0  }
.LBB2_3:
0x2d: {  	s17 =	sadd.s32 $0x1, s17  }
0x2e: {  	[sflag:s13] =	ssyncadd.s32 $0xFFFFC000;
	p0 =	sne.s32 s17, s11  }
.Ltmp2:
0x2f: {  	[bflag:$0x0] =	sbarrier.arrive $0xFFFF;
	(pc) =	sbr.rel @p0 .LBB2_1-.Ltmp2, $4  }
0x30: {  	[hbm:s10], [sflag:s7] =	dma.local [spmem:s12], $0x2800  }
0x31: {  	_ =	swait.ge [sflag:s13], $0x2800  }
0x32: {  	[sflag:s13] =	ssyncset.done $0x0  }
0x33: {  	[sflag:s13] =	ssyncadd.s32 $0xFFFFD800  }
0x34: {  	_ =	sfence.sel $0x180000  }
0x35: {  	[bflag:$0x0] =	sbarrier.arrive $0xFFFF  }
0x36: {  	p0 =	sne.s32 s1, $0x0;
	_ =	strace $0x9000004D  }
0x37: {  	s0 =	sadd.s32 @!p0 $0x100000, s0;
	[bflag:$0x2] =	sbarrier.arrive $0xFFFF  }
0x38: {  	[sflag:s0] =	ssyncadd.tile.s32 @!p0 $0x1;
	_ =	shalt  }
.Lfunc_end2:
_tile_overlayer_lowered:
.L_overlay_start_2:
0x39: {  	(tag) =	ssettag $0x2  }
0x3a: {  	s0 =	rddreg [dreg:$0x0];
	s2 =	stileid.u32  }
0x3b: {  	s1 =	rddreg [dreg:$0x1];
	p0 =	sne.s32 s2, $0x0  }
0x3c: {  	s3 =	rddreg [dreg:$0x2];
	[bflag:$0x3] =	sbarrier.arrive $0xFFFF;
	s2 =	simm.s32 @!p0 $0x1C02  }
0x3d: {  	[timem:s3], [sflag:s2] =	dma.local @!p0 [hbm:s0], s1  }
0x3e: {  	s0 =	simm.s32 @!p0 $0x2  }
0x3f: {  	_ =	swait.ge @!p0 [sflag:s0], s1  }
0x40: {  	s1 =	ssub.s32 @!p0 $0x0, s1;
	[sflag:s0] =	ssyncset.done @!p0 $0x0  }
0x41: {  	[sflag:s0] =	ssyncadd.s32 @!p0 s1  }
0x42: {  	[bflag:$0x3] =	sbarrier.arrive $0xFFFF  }
0x43: {  	_ =	shalt  }

// kernel: kernel.22.cloned.1.call-start
scs
__scs_entry_jumppad:
0x0: {  	(pc) =	sbr.rel $0x88, $3  }
0x1: {  	(tag) =	ssettag $0x0;
	lr =	simm.s32 $0x1  }
0x2: {  	[smem:$0x3F9C] =	sst lr;
	_ =	strace $0xD0000000  }
0x3: {  	_ = 	snop  }
0x4: {  	_ = 	snop  }
0x5: {  	_ = 	snop  }
0x6: {  	_ = 	snop  }
0x7: {  	_ = 	snop  }
__scs_overlays_trampoline_lowered:
0x8: {  	[smem:$0x3FAB] =	sst s0  }
0x9: {  	[smem:$0x3FAC] =	sst s1  }
0xa: {  	[smem:$0x3FAD] =	sst s2  }
0xb: {  	[smem:$0x3FAE] =	sst s3  }
0xc: {  	[smem:$0x3FAF] =	sst s4  }
0xd: {  	[smem:$0x3FB0] =	sst s5  }
0xe: {  	[smem:$0x3FB1] =	sst s6  }
0xf: {  	[smem:$0x3FB2] =	sst s7  }
0x10: {  	[smem:$0x3FB3] =	sst s8  }
0x11: {  	[smem:$0x3FB4] =	sst s9;
	s0 =	simm.s32 @!p0 $0x0  }
0x12: {  	s1 =	sld [smem:$0x3F9A];
	s0 =	simm.s32 @p0 $0x1  }
0x13: {  	[smem:$0x3FB5] =	sst s0;
	s0 =	simm.s32 @!p1 $0x0  }
0x14: {  	s2 =	sld [smem:$0x3F99];
	s0 =	simm.s32 @p1 $0x1  }
0x15: {  	[smem:$0x3FB6] =	sst s0;
	s0 =	simm.s32 @!p2 $0x0  }
0x16: {  	s3 =	sld [smem:$0x3FDB];
	s0 =	simm.s32 @p2 $0x1  }
0x17: {  	s4 =	simm.s32 $0x1BF5;
	[smem:$0x3FB8] =	sst s0  }
0x18: {  	s0 =	sld [smem:$0x3F9B];
	_ =	swait.ge [sflag:s4], $0x0  }
0x19: {  	s7 =	sld [smem:$0x3F9C]  }
0x1a: {  	s8 =	sadd.s32 $0xFFFFE003, lr  }
0x1b: {  	s9 =	sadd.s32 $0xFFFFFEF7, lr;
	s5 =	simm.s32 $0xFFFFFFFF;
	p2 =	slt.u32 s8, $0xFFFFF086  }
0x1c: {  	p1 =	slt.u32 s9, $0xF7A;
	s5 =	simm.s32 @!p2 $0x0  }
0x1d: {  	s5 =	simm.s32 @p1 $0x1;
	p0 =	seq.s32 s7, s2  }
0x1e: {  	s7 =	smul.u32 @!p0 $0xF7A, s2;
	p2 =	seq.s32 @!p0 s5, $0x0  }
0x1f: {  	s9 =	smul.u32 $0xF7A, s1;
	s8 =	simm.s32 @!p0 $0x1BF5;
	p2 =	por !p2, p0  }
0x20: {  	[sflag:s8] =	ssyncset.s32 @!p0 $0xFFFFF086;
	s6 =	sadd.s32 @!p0 s3, s7;
	s7 =	simm.s32 @!p0 $0x108  }
0x21: {  	s3 =	sadd.s32 s3, s9;
	s6 =	sadd.s32 @!p0 $0x88, s6;
	s7 =	simm.s32 @p2 $0x1082  }
0x22: {  	[simem:s7], [sflag:s8] =	dma.local @!p0 [hbm:s6], $0xF7A  }
0x23: {  	s9 =	sor.u32 $0xD0000000, s2;
	s6 =	simm.s32 $0x108;
	_ =	swait.ge @!p0 [sflag:s8], $0x0  }
0x24: {  	s3 =	sadd.s32 $0x88, s3;
	s6 =	simm.s32 @!p1 $0x1082;
	[sflag:s4] =	ssyncset.s32 $0xFFFFF086  }
0x25: {  	[simem:s6], [sflag:s4] =	dma.local [hbm:s3], $0xF7A  }
0x26: {  	[smem:$0x3F9C] =	sst s1;
	(tag) =	ssettag s2;
	_ =	strace s9  }
0x27: {  	s1 =	sld [smem:$0x3FAC]  }
0x28: {  	s2 =	sld [smem:$0x3FAD]  }
0x29: {  	s4 =	sld [smem:$0x3FAF]  }
0x2a: {  	p0 =	seq.s32 s5, $0x0;
	s5 =	sld [smem:$0x3FB0]  }
0x2b: {  	s6 =	sld [smem:$0x3FB1]  }
0x2c: {  	s7 =	sld [smem:$0x3FB2]  }
0x2d: {  	s3 =	simm.s32 $0x108;
	s8 =	sld [smem:$0x3FB3]  }
0x2e: {  	s3 =	simm.s32 @!p0 $0x1082;
	s9 =	sld [smem:$0x3FB4]  }
0x2f: {  	lr =	sadd.s32 s0, s3;
	s0 =	sld [smem:$0x3FAB]  }
0x30: {  	s3 =	sld [smem:$0x3FAE]  }
0x31: {  	[smem:$0x3FB7] =	sst s10  }
0x32: {  	s10 =	sld [smem:$0x3FB5];
	_ =	sdelay $0x3  }
0x33: {  	p0 =	seq.s32 s10, $0x1;
	s10 =	sld [smem:$0x3FB7];
	_ =	sdelay $0x3  }
0x34: {  	[smem:$0x3FB7] =	sst s10  }
0x35: {  	s10 =	sld [smem:$0x3FB6];
	_ =	sdelay $0x3  }
0x36: {  	p1 =	seq.s32 s10, $0x1;
	s10 =	sld [smem:$0x3FB7];
	_ =	sdelay $0x3  }
0x37: {  	[smem:$0x3FB7] =	sst s10  }
0x38: {  	s10 =	sld [smem:$0x3FB8]  }
0x39: {  	_ = 	snop;
	(pc) =	sbr.ind lr, $3  }
0x3a: {  	_ = 	snop  }
0x3b: {  	_ = 	snop  }
0x3c: {  	p2 =	seq.s32 s10, $0x1;
	s10 =	sld [smem:$0x3FB7]  }
0x3d: {  	_ =	shalt  }
0x3e: {  	_ =	shalt  }
0x3f: {  	_ =	shalt  }
0x40: {  	_ =	shalt  }
0x41: {  	_ =	shalt  }
0x42: {  	_ =	shalt  }
0x43: {  	_ =	shalt  }
0x44: {  	_ =	shalt  }
0x45: {  	_ =	shalt  }
0x46: {  	_ =	shalt  }
0x47: {  	_ =	shalt  }
0x48: {  	_ =	shalt  }
0x49: {  	_ =	shalt  }
0x4a: {  	_ =	shalt  }
0x4b: {  	_ =	shalt  }
0x4c: {  	_ =	shalt  }
0x4d: {  	_ =	shalt  }
0x4e: {  	_ =	shalt  }
0x4f: {  	_ =	shalt  }
0x50: {  	_ =	shalt  }
0x51: {  	_ =	shalt  }
0x52: {  	_ =	shalt  }
0x53: {  	_ =	shalt  }
0x54: {  	_ =	shalt  }
0x55: {  	_ =	shalt  }
0x56: {  	_ =	shalt  }
0x57: {  	_ =	shalt  }
0x58: {  	_ =	shalt  }
0x59: {  	_ =	shalt  }
0x5a: {  	_ =	shalt  }
0x5b: {  	_ =	shalt  }
0x5c: {  	_ =	shalt  }
0x5d: {  	_ =	shalt  }
0x5e: {  	_ =	shalt  }
0x5f: {  	_ =	shalt  }
0x60: {  	_ =	shalt  }
0x61: {  	_ =	shalt  }
0x62: {  	_ =	shalt  }
0x63: {  	_ =	shalt  }
0x64: {  	_ =	shalt  }
0x65: {  	_ =	shalt  }
0x66: {  	_ =	shalt  }
0x67: {  	_ =	shalt  }
0x68: {  	_ =	shalt  }
0x69: {  	_ =	shalt  }
0x6a: {  	_ =	shalt  }
0x6b: {  	_ =	shalt  }
0x6c: {  	_ =	shalt  }
0x6d: {  	_ =	shalt  }
0x6e: {  	_ =	shalt  }
0x6f: {  	_ =	shalt  }
0x70: {  	_ =	shalt  }
0x71: {  	_ =	shalt  }
0x72: {  	_ =	shalt  }
0x73: {  	_ =	shalt  }
0x74: {  	_ =	shalt  }
0x75: {  	_ =	shalt  }
0x76: {  	_ =	shalt  }
0x77: {  	_ =	shalt  }
0x78: {  	_ =	shalt  }
0x79: {  	_ =	shalt  }
0x7a: {  	_ =	shalt  }
0x7b: {  	_ =	shalt  }
0x7c: {  	_ =	shalt  }
0x7d: {  	_ =	shalt  }
0x7e: {  	_ =	shalt  }
0x7f: {  	_ =	shalt  }
0x80: {  	_ =	shalt  }
0x81: {  	_ =	shalt  }
0x82: {  	_ =	shalt  }
0x83: {  	_ =	shalt  }
0x84: {  	_ =	shalt  }
0x85: {  	_ =	shalt  }
0x86: {  	_ =	shalt  }
0x87: {  	_ =	shalt  }
.Lfunc_end0:
.L_simem_size_0:
called_computation.3_lowered:
.L_overlay_start_0:
0x88: {  	s2 =	sld [smem:$0x3FD9]  }
0x89: {  	s3 =	sld [smem:$0x3FFE];
	_ =	sdelay $0x1  }
0x8a: {  	s1 =	srdreg.scid  }
0x8b: {  	s0 =	sand.u32 $0x1, s1  }
0x8c: {  	s16 =	sshll.u32 s0, $0xA;
	s2 =	sadd.s32 s3, s2  }
0x8d: {  	s2 =	sadd.s32 s2, s16  }
0x8e: {  	[smem:$0x3FC3] =	sst s2  }
0x8f: {  	_ = 	snop  }
0x90: {  	(tm) =	ssettm $0x1  }
0x91: {  	s17 =	sld [smem:$0x3FFB];
	_ =	sdelay $0x3  }
0x92: {  	_ =	strace s17  }
0x93: {  	s2 =	sld [smem:$0x3FFC];
	_ =	sdelay $0x3  }
0x94: {  	_ =	strace s2  }
0x95: {  	s2 =	sld [smem:$0x3FFD];
	_ =	sdelay $0x3  }
0x96: {  	_ =	strace s2  }
0x97: {  	_ =	strace $0x8FFFFFFF  }
0x98: {  	s18 =	sld [smem:$0x3FDB];
	_ =	sdelay $0x1  }
0x99: {  	s19 =	simm.s32 $_scs_section_size  }
0x9a: {  	s4 =	simm.s32 $_size__tile_overlayer_lowered;
	s5 =	simm.s32 $_tile_overlayer_lowered  }
0x9b: {  	s22 =	simm.s32 $0x1BFF;
	s21 =	sshll.u32 s5, $0x1;
	s2 =	sadd.s32 s19, s18  }
0x9c: {  	s6 =	simm.s32 $0x0;
	s20 =	sshll.u32 s4, $0x1;
	s4 =	sadd.s32 s21, s2  }
0x9d: {  	[timem:s6], [sflag:s22] =	dma.local [hbm:s4], s20  }
0x9e: {  	_ =	swait.ge [sflag:s22], s20  }
0x9f: {  	s3 =	ssub.s32 $0x0, s20;
	[sflag:s22] =	ssyncset.done $0x0  }
0xa0: {  	[sflag:s22] =	ssyncadd.s32 s3;
	_ =	sdelay $0x1  }
0xa1: {  	s23 =	simm.s32 $0x1B8B  }
0xa2: {  	_ =	swait.ge [sflag:s23], $0x1  }
0xa3: {  	[sflag:s23] =	ssyncset.done $0x0  }
0xa4: {  	s25 =	simm.s32 $0x1B8E;
	s24 =	sld [smem:$0x3FFE];
	[sflag:s23] =	ssyncadd.s32 $0xFFFFFFFF  }
0xa5: {  	s26 =	simm.s32 $execute0_lowered;
	[smem:$0x3FD2] =	sst s25  }
0xa6: {  	s4 =	sshll.u32 s26, $0x1;
	_ =	strace $0x8000004F;
	[dreg:$0x1] =	wrdreg $0xFFFFFFFF  }
0xa7: {  	s28 =	simm.s32 $_size_execute0_lowered;
	s2 =	sadd.s32 s2, s4;
	[dreg:$0x0] =	wrdreg $0x0  }
0xa8: {  	s4 =	sshll.u32 s28, $0x1;
	[dreg:$0x2] =	wrdreg s2  }
0xa9: {  	[dreg:$0x3] =	wrdreg s4  }
0xaa: {  	[dreg:$0x4] =	wrdreg $0xC0  }
0xab: {  	_ =	task [dreg:s6], $0x5FFFF  }
0xac: {  	[dreg:$0x1] =	wrdreg $0xFFFFFFFF  }
0xad: {  	[dreg:$0x0] =	wrdreg $0x60  }
0xae: {  	[dreg:$0x2] =	wrdreg s24  }
0xaf: {  	[dreg:$0x3] =	wrdreg $0xA8000  }
0xb0: {  	[dreg:$0x4] =	wrdreg $0x9  }
0xb1: {  	_ =	task.clear_ibuf [dreg:s6], $0x5FFFF;
	_ =	strace $0x9000004F  }
0xb2: {  	s29 =	simm.s32 $0x9;
	_ =	strace $0x80000051  }
0xb3: {  	_ =	swait.ge [sflag:s29], $0x1  }
0xb4: {  	[sflag:s29] =	ssyncadd.s32 $0xFFFFFFFF  }
0xb5: {  	_ =	strace $0x90000051  }
0xb6: {  	_ =	sfence  }
0xb7: {  	s30 =	sld [smem:$0x0];
	_ =	sdelay $0x2  }
0xb8: {  	s31 =	sshll.u32 s1, $0xD;
	s1 =	sshrl.u32 s1, $0x2  }
0xb9: {  	s3 =	sand.u32 $0x4000, s31;
	s1 =	sadd.s32 s1, s30  }
0xba: {  	s0 =	sor.u32 s3, s0;
	s1 =	sshll.u32 s1, $0x11  }
0xbb: {  	s0 =	sor.u32 s1, s0  }
0xbc: {  	s0 =	sadd.s32 $0x8F2B, s0  }
0xbd: {  	[sflag:s0] =	ssyncadd.remote.s32 $0x1  }
0xbe: {  	_ =	sfence.sel $0xFFFF  }
0xbf: {  	[dreg:$0x0] =	wrdreg $0xFFFFFFFF;
	(pc) =	sbr.abs _section_cstart, $3  }
0xc0: {  	[dreg:$0x1] =	wrdreg $0xFFFFFFFF  }
0xc1: {  	_ =	task.clear_ibuf [dreg:s6], $0x2FFFF;
	_ =	strace $0x9FFFFFFF  }
0xc2: {  	(tm) =	ssettm $0x7FFFFFFF  }
0xc3: {  	_ =	shalt  }
tec
execute0_lowered:
.L_overlay_start_1:
0x0: {  	(tag) =	ssettag $0x1  }
0x1: {  	s6 =	rddreg [dreg:$0x0]  }
0x2: {  	s2 =	rddreg [dreg:$0x1]  }
0x3: {  	s0 =	rddreg [dreg:$0x2];
	s1 =	stileid.u32  }
0x4: {  	s4 =	srdreg.scid;
	s5 =	smul.u32 $0x38, s1  }
0x5: {  	s3 =	simm.s32 $0x0;
	s7 =	sand.u32 $0x1, s4;
	s4 =	smul.u32 $0x68, s1  }
0x6: {  	s15 =	simm.s32 $0x6800;
	s16 =	simm.s32 $0x1;
	s8 =	smul.u32 $0x2800, s1  }
0x7: {  	s17 =	simm.s32 $0x0;
	[smem:$0x7FF] =	sst s3;
	s11 =	smul.u32 $0x50000, s1  }
0x8: {  	s31 =	sshll.u32 s1, $0x6;
	p0 =	seq.s32 s7, $0x0;
	_ =	strace $0x80000050  }
0x9: {  	s9 =	smul.u32 $0x28000, s7;
	s7 =	ssub.s32 $0x2, s7;
	s5 =	sadd.s32 $0x680, s5  }
0xa: {  	s29 =	sshrl.u32 s7, $0x1;
	s30 =	sshrl.u32 s11, $0x2;
	s5 =	smov.u32 @p0 s4  }
0xb: {  	s4 =	sadd.s32 $0x1D000, s6;
	s8 =	sadd.s32 s8, s9;
	s13 =	ssub.s32 s7, s29  }
0xc: {  	s14 =	sadd.s32 s30, s2;
	s7 =	sor.u32 $0x1C02, s31;
	s5 =	sshll.u32 s5, $0x4  }
0xd: {  	s12 =	sadd.s32 s8, s6;
	s11 =	smax.u32 s13, $0x1;
	s13 =	simm.s32 $0x2  }
0xe: {  	s10 =	sadd.s32 s5, s6;
	s5 =	sadd.s32 $0x1A800, s6;
	s6 =	simm.s32 $0x68  }
0xf: {  	s6 =	simm.s32 @!p0 $0x38;
	s8 =	sadd.s32 $0x5800, s10;
	s9 =	sadd.s32 $0x10000, s10  }
0x10: {  	s10 =	sadd.s32 $0x6B400, s12;
	s12 =	sshrl.u32 s14, $0x3;
	s14 =	simm.s32 $0x80  }
.LBB2_1:
0x11: {  	[spmem:s12], [sflag:s7] =	dma.local [hbm:s5], $0x2800  }
0x12: {  	_ =	swait.ge [sflag:s13], $0x2800  }
0x13: {  	[sflag:s13] =	ssyncset.done $0x0  }
0x14: {  	[sflag:s13] =	ssyncadd.s32 $0xFFFFD800  }
0x15: {  	[tilespmem:s3], [sflag:$0x2] =	stream.linear.gather [hbm4b:s8+s3], $0x3400, $0x38;
	[tilespmem:$0x1E800] =	vst v63  }
0x16: {  	_ =	swait.ge [sflag:s13], $0x3400  }
0x17: {  	[sflag:s13] =	ssyncset.done $0x0  }
0x18: {  	s18 =	simm.s32 $0x3400;
	[sflag:s13] =	ssyncadd.s32 $0xFFFFCC00  }
0x19: {  	[tilespmem:s18], [sflag:$0x2] =	stream.linear.gather [hbm4b:s9+s3], $0x3400, $0x38;
	[tilespmem:$0x1E800] =	vst v63  }
0x1a: {  	_ =	swait.ge [sflag:s13], $0x3400  }
0x1b: {  	[sflag:s13] =	ssyncset.done $0x0  }
0x1c: {  	[sflag:s13] =	ssyncadd.s32 $0xFFFFCC00  }
0x1d: {  	[bflag:$0x0] =	sbarrier.arrive $0xFFFF  }
0x1e: {  	[tilespmem:s15], [sflag:$0x1] =	stream.indirect.gather [hbm4b:s4+s14], $0x80, s3, s14, $0xb8;
	[tilespmem:$0x1E800] =	vst v63  }
0x1f: {  	p0 =	sne.s32 s6, $0x1;
	_ =	swait.ge [sflag:s16], $0x4000  }
.Ltmp0:
0x20: {  	[sflag:s16] =	ssyncset.done $0x0;
	(pc) =	sbr.rel @!p0 .LBB2_3-.Ltmp0, $4  }
0x21: {  	[sflag:s16] =	ssyncadd.s32 $0xFFFFC000  }
0x22: {  	[spmem:s2] =	stream.indirect.scatter.add.f32 [tilespmem:s15], [sflag:$0x2], $0x80, s18, s14, $0xb8;
	[tilespmem:$0x1E800] =	vst v63  }
0x23: {  	_ =	swait.ge [sflag:s13], $0x4000  }
0x24: {  	s19 =	sadd.s32 $0xFFFFFFFF, s6;
	s20 =	simm.s32 $0x0;
	[sflag:s13] =	ssyncset.done $0x0  }
.LBB2_2:
0x25: {  	[sflag:s13] =	ssyncadd.s32 $0xFFFFC000;
	s20 =	sadd.s32 $0x80, s20;
	s18 =	sadd.s32 $0x80, s18  }
0x26: {  	[tilespmem:s15], [sflag:$0x1] =	stream.indirect.gather [hbm4b:s4+s14], $0x80, s20, s14, $0xb8;
	[tilespmem:$0x1E800] =	vst v63  }
0x27: {  	p0 =	sne.s32 s19, $0x1;
	s19 =	sadd.s32 $0xFFFFFFFF, s19;
	_ =	swait.ge [sflag:s16], $0x4000  }
.Ltmp1:
0x28: {  	[sflag:s16] =	ssyncset.done $0x0;
	(pc) =	sbr.rel @p0 .LBB2_2-.Ltmp1, $4  }
0x29: {  	[sflag:s16] =	ssyncadd.s32 $0xFFFFC000  }
0x2a: {  	[spmem:s2] =	stream.indirect.scatter.add.f32 [tilespmem:s15], [sflag:$0x2], $0x80, s18, s14, $0xb8;
	[tilespmem:$0x1E800] =	vst v63  }
0x2b: {  	_ =	swait.ge [sflag:s13], $0x4000  }
0x2c: {  	[sflag:s13] =	ssyncset.done $0x0  }
.LBB2_3:
0x2d: {  	s17 =	sadd.s32 $0x1, s17  }
0x2e: {  	[sflag:s13] =	ssyncadd.s32 $0xFFFFC000;
	p0 =	sne.s32 s17, s11  }
.Ltmp2:
0x2f: {  	[bflag:$0x0] =	sbarrier.arrive $0xFFFF;
	(pc) =	sbr.rel @p0 .LBB2_1-.Ltmp2, $4  }
0x30: {  	[hbm:s10], [sflag:s7] =	dma.local [spmem:s12], $0x2800  }
0x31: {  	_ =	swait.ge [sflag:s13], $0x2800  }
0x32: {  	[sflag:s13] =	ssyncset.done $0x0  }
0x33: {  	[sflag:s13] =	ssyncadd.s32 $0xFFFFD800  }
0x34: {  	_ =	sfence.sel $0x180000  }
0x35: {  	[bflag:$0x0] =	sbarrier.arrive $0xFFFF  }
0x36: {  	p0 =	sne.s32 s1, $0x0;
	_ =	strace $0x90000050  }
0x37: {  	s0 =	sadd.s32 @!p0 $0x100000, s0;
	[bflag:$0x2] =	sbarrier.arrive $0xFFFF  }
0x38: {  	[sflag:s0] =	ssyncadd.tile.s32 @!p0 $0x1;
	_ =	shalt  }
.Lfunc_end2:
_tile_overlayer_lowered:
.L_overlay_start_2:
0x39: {  	(tag) =	ssettag $0x2  }
0x3a: {  	s0 =	rddreg [dreg:$0x0];
	s2 =	stileid.u32  }
0x3b: {  	s1 =	rddreg [dreg:$0x1];
	p0 =	sne.s32 s2, $0x0  }
0x3c: {  	s3 =	rddreg [dreg:$0x2];
	[bflag:$0x3] =	sbarrier.arrive $0xFFFF;
	s2 =	simm.s32 @!p0 $0x1C02  }
0x3d: {  	[timem:s3], [sflag:s2] =	dma.local @!p0 [hbm:s0], s1  }
0x3e: {  	s0 =	simm.s32 @!p0 $0x2  }
0x3f: {  	_ =	swait.ge @!p0 [sflag:s0], s1  }
0x40: {  	s1 =	ssub.s32 @!p0 $0x0, s1;
	[sflag:s0] =	ssyncset.done @!p0 $0x0  }
0x41: {  	[sflag:s0] =	ssyncadd.s32 @!p0 s1  }
0x42: {  	[bflag:$0x3] =	sbarrier.arrive $0xFFFF  }
0x43: {  	_ =	shalt  }

// kernel: kernel.25.cloned.1.call-start
scs
__scs_entry_jumppad:
0x0: {  	(pc) =	sbr.rel $0x88, $3  }
0x1: {  	(tag) =	ssettag $0x0;
	lr =	simm.s32 $0x1  }
0x2: {  	[smem:$0x3F9C] =	sst lr;
	_ =	strace $0xD0000000  }
0x3: {  	_ = 	snop  }
0x4: {  	_ = 	snop  }
0x5: {  	_ = 	snop  }
0x6: {  	_ = 	snop  }
0x7: {  	_ = 	snop  }
__scs_overlays_trampoline_lowered:
0x8: {  	[smem:$0x3FAB] =	sst s0  }
0x9: {  	[smem:$0x3FAC] =	sst s1  }
0xa: {  	[smem:$0x3FAD] =	sst s2  }
0xb: {  	[smem:$0x3FAE] =	sst s3  }
0xc: {  	[smem:$0x3FAF] =	sst s4  }
0xd: {  	[smem:$0x3FB0] =	sst s5  }
0xe: {  	[smem:$0x3FB1] =	sst s6  }
0xf: {  	[smem:$0x3FB2] =	sst s7  }
0x10: {  	[smem:$0x3FB3] =	sst s8  }
0x11: {  	[smem:$0x3FB4] =	sst s9;
	s0 =	simm.s32 @!p0 $0x0  }
0x12: {  	s1 =	sld [smem:$0x3F9A];
	s0 =	simm.s32 @p0 $0x1  }
0x13: {  	[smem:$0x3FB5] =	sst s0;
	s0 =	simm.s32 @!p1 $0x0  }
0x14: {  	s2 =	sld [smem:$0x3F99];
	s0 =	simm.s32 @p1 $0x1  }
0x15: {  	[smem:$0x3FB6] =	sst s0;
	s0 =	simm.s32 @!p2 $0x0  }
0x16: {  	s3 =	sld [smem:$0x3FDB];
	s0 =	simm.s32 @p2 $0x1  }
0x17: {  	s4 =	simm.s32 $0x1BF5;
	[smem:$0x3FB8] =	sst s0  }
0x18: {  	s0 =	sld [smem:$0x3F9B];
	_ =	swait.ge [sflag:s4], $0x0  }
0x19: {  	s7 =	sld [smem:$0x3F9C]  }
0x1a: {  	s8 =	sadd.s32 $0xFFFFE003, lr  }
0x1b: {  	s9 =	sadd.s32 $0xFFFFFEF7, lr;
	s5 =	simm.s32 $0xFFFFFFFF;
	p2 =	slt.u32 s8, $0xFFFFF086  }
0x1c: {  	p1 =	slt.u32 s9, $0xF7A;
	s5 =	simm.s32 @!p2 $0x0  }
0x1d: {  	s5 =	simm.s32 @p1 $0x1;
	p0 =	seq.s32 s7, s2  }
0x1e: {  	s7 =	smul.u32 @!p0 $0xF7A, s2;
	p2 =	seq.s32 @!p0 s5, $0x0  }
0x1f: {  	s9 =	smul.u32 $0xF7A, s1;
	s8 =	simm.s32 @!p0 $0x1BF5;
	p2 =	por !p2, p0  }
0x20: {  	[sflag:s8] =	ssyncset.s32 @!p0 $0xFFFFF086;
	s6 =	sadd.s32 @!p0 s3, s7;
	s7 =	simm.s32 @!p0 $0x108  }
0x21: {  	s3 =	sadd.s32 s3, s9;
	s6 =	sadd.s32 @!p0 $0x88, s6;
	s7 =	simm.s32 @p2 $0x1082  }
0x22: {  	[simem:s7], [sflag:s8] =	dma.local @!p0 [hbm:s6], $0xF7A  }
0x23: {  	s9 =	sor.u32 $0xD0000000, s2;
	s6 =	simm.s32 $0x108;
	_ =	swait.ge @!p0 [sflag:s8], $0x0  }
0x24: {  	s3 =	sadd.s32 $0x88, s3;
	s6 =	simm.s32 @!p1 $0x1082;
	[sflag:s4] =	ssyncset.s32 $0xFFFFF086  }
0x25: {  	[simem:s6], [sflag:s4] =	dma.local [hbm:s3], $0xF7A  }
0x26: {  	[smem:$0x3F9C] =	sst s1;
	(tag) =	ssettag s2;
	_ =	strace s9  }
0x27: {  	s1 =	sld [smem:$0x3FAC]  }
0x28: {  	s2 =	sld [smem:$0x3FAD]  }
0x29: {  	s4 =	sld [smem:$0x3FAF]  }
0x2a: {  	p0 =	seq.s32 s5, $0x0;
	s5 =	sld [smem:$0x3FB0]  }
0x2b: {  	s6 =	sld [smem:$0x3FB1]  }
0x2c: {  	s7 =	sld [smem:$0x3FB2]  }
0x2d: {  	s3 =	simm.s32 $0x108;
	s8 =	sld [smem:$0x3FB3]  }
0x2e: {  	s3 =	simm.s32 @!p0 $0x1082;
	s9 =	sld [smem:$0x3FB4]  }
0x2f: {  	lr =	sadd.s32 s0, s3;
	s0 =	sld [smem:$0x3FAB]  }
0x30: {  	s3 =	sld [smem:$0x3FAE]  }
0x31: {  	[smem:$0x3FB7] =	sst s10  }
0x32: {  	s10 =	sld [smem:$0x3FB5];
	_ =	sdelay $0x3  }
0x33: {  	p0 =	seq.s32 s10, $0x1;
	s10 =	sld [smem:$0x3FB7];
	_ =	sdelay $0x3  }
0x34: {  	[smem:$0x3FB7] =	sst s10  }
0x35: {  	s10 =	sld [smem:$0x3FB6];
	_ =	sdelay $0x3  }
0x36: {  	p1 =	seq.s32 s10, $0x1;
	s10 =	sld [smem:$0x3FB7];
	_ =	sdelay $0x3  }
0x37: {  	[smem:$0x3FB7] =	sst s10  }
0x38: {  	s10 =	sld [smem:$0x3FB8]  }
0x39: {  	_ = 	snop;
	(pc) =	sbr.ind lr, $3  }
0x3a: {  	_ = 	snop  }
0x3b: {  	_ = 	snop  }
0x3c: {  	p2 =	seq.s32 s10, $0x1;
	s10 =	sld [smem:$0x3FB7]  }
0x3d: {  	_ =	shalt  }
0x3e: {  	_ =	shalt  }
0x3f: {  	_ =	shalt  }
0x40: {  	_ =	shalt  }
0x41: {  	_ =	shalt  }
0x42: {  	_ =	shalt  }
0x43: {  	_ =	shalt  }
0x44: {  	_ =	shalt  }
0x45: {  	_ =	shalt  }
0x46: {  	_ =	shalt  }
0x47: {  	_ =	shalt  }
0x48: {  	_ =	shalt  }
0x49: {  	_ =	shalt  }
0x4a: {  	_ =	shalt  }
0x4b: {  	_ =	shalt  }
0x4c: {  	_ =	shalt  }
0x4d: {  	_ =	shalt  }
0x4e: {  	_ =	shalt  }
0x4f: {  	_ =	shalt  }
0x50: {  	_ =	shalt  }
0x51: {  	_ =	shalt  }
0x52: {  	_ =	shalt  }
0x53: {  	_ =	shalt  }
0x54: {  	_ =	shalt  }
0x55: {  	_ =	shalt  }
0x56: {  	_ =	shalt  }
0x57: {  	_ =	shalt  }
0x58: {  	_ =	shalt  }
0x59: {  	_ =	shalt  }
0x5a: {  	_ =	shalt  }
0x5b: {  	_ =	shalt  }
0x5c: {  	_ =	shalt  }
0x5d: {  	_ =	shalt  }
0x5e: {  	_ =	shalt  }
0x5f: {  	_ =	shalt  }
0x60: {  	_ =	shalt  }
0x61: {  	_ =	shalt  }
0x62: {  	_ =	shalt  }
0x63: {  	_ =	shalt  }
0x64: {  	_ =	shalt  }
0x65: {  	_ =	shalt  }
0x66: {  	_ =	shalt  }
0x67: {  	_ =	shalt  }
0x68: {  	_ =	shalt  }
0x69: {  	_ =	shalt  }
0x6a: {  	_ =	shalt  }
0x6b: {  	_ =	shalt  }
0x6c: {  	_ =	shalt  }
0x6d: {  	_ =	shalt  }
0x6e: {  	_ =	shalt  }
0x6f: {  	_ =	shalt  }
0x70: {  	_ =	shalt  }
0x71: {  	_ =	shalt  }
0x72: {  	_ =	shalt  }
0x73: {  	_ =	shalt  }
0x74: {  	_ =	shalt  }
0x75: {  	_ =	shalt  }
0x76: {  	_ =	shalt  }
0x77: {  	_ =	shalt  }
0x78: {  	_ =	shalt  }
0x79: {  	_ =	shalt  }
0x7a: {  	_ =	shalt  }
0x7b: {  	_ =	shalt  }
0x7c: {  	_ =	shalt  }
0x7d: {  	_ =	shalt  }
0x7e: {  	_ =	shalt  }
0x7f: {  	_ =	shalt  }
0x80: {  	_ =	shalt  }
0x81: {  	_ =	shalt  }
0x82: {  	_ =	shalt  }
0x83: {  	_ =	shalt  }
0x84: {  	_ =	shalt  }
0x85: {  	_ =	shalt  }
0x86: {  	_ =	shalt  }
0x87: {  	_ =	shalt  }
.Lfunc_end0:
.L_simem_size_0:
called_computation.4_lowered:
.L_overlay_start_0:
0x88: {  	s2 =	sld [smem:$0x3FD9]  }
0x89: {  	s3 =	sld [smem:$0x3FFE];
	_ =	sdelay $0x1  }
0x8a: {  	s1 =	srdreg.scid  }
0x8b: {  	s0 =	sand.u32 $0x1, s1  }
0x8c: {  	s16 =	sshll.u32 s0, $0xA;
	s2 =	sadd.s32 s3, s2  }
0x8d: {  	s2 =	sadd.s32 s2, s16  }
0x8e: {  	[smem:$0x3FC3] =	sst s2  }
0x8f: {  	_ = 	snop  }
0x90: {  	(tm) =	ssettm $0x1  }
0x91: {  	s17 =	sld [smem:$0x3FFB];
	_ =	sdelay $0x3  }
0x92: {  	_ =	strace s17  }
0x93: {  	s2 =	sld [smem:$0x3FFC];
	_ =	sdelay $0x3  }
0x94: {  	_ =	strace s2  }
0x95: {  	s2 =	sld [smem:$0x3FFD];
	_ =	sdelay $0x3  }
0x96: {  	_ =	strace s2  }
0x97: {  	_ =	strace $0x8FFFFFFF  }
0x98: {  	s18 =	sld [smem:$0x3FDB];
	_ =	sdelay $0x1  }
0x99: {  	s19 =	simm.s32 $_scs_section_size  }
0x9a: {  	s4 =	simm.s32 $_size__tile_overlayer_lowered;
	s5 =	simm.s32 $_tile_overlayer_lowered  }
0x9b: {  	s22 =	simm.s32 $0x1BFF;
	s21 =	sshll.u32 s5, $0x1;
	s2 =	sadd.s32 s19, s18  }
0x9c: {  	s6 =	simm.s32 $0x0;
	s20 =	sshll.u32 s4, $0x1;
	s4 =	sadd.s32 s21, s2  }
0x9d: {  	[timem:s6], [sflag:s22] =	dma.local [hbm:s4], s20  }
0x9e: {  	_ =	swait.ge [sflag:s22], s20  }
0x9f: {  	s3 =	ssub.s32 $0x0, s20;
	[sflag:s22] =	ssyncset.done $0x0  }
0xa0: {  	[sflag:s22] =	ssyncadd.s32 s3;
	_ =	sdelay $0x1  }
0xa1: {  	s23 =	simm.s32 $0x1B8B  }
0xa2: {  	_ =	swait.ge [sflag:s23], $0x1  }
0xa3: {  	[sflag:s23] =	ssyncset.done $0x0  }
0xa4: {  	s25 =	simm.s32 $0x1B8E;
	s24 =	sld [smem:$0x3FFE];
	[sflag:s23] =	ssyncadd.s32 $0xFFFFFFFF  }
0xa5: {  	s26 =	simm.s32 $execute0_lowered;
	[smem:$0x3FD2] =	sst s25  }
0xa6: {  	s4 =	sshll.u32 s26, $0x1;
	_ =	strace $0x80000052;
	[dreg:$0x1] =	wrdreg $0xFFFFFFFF  }
0xa7: {  	s28 =	simm.s32 $_size_execute0_lowered;
	s2 =	sadd.s32 s2, s4;
	[dreg:$0x0] =	wrdreg $0x0  }
0xa8: {  	s4 =	sshll.u32 s28, $0x1;
	[dreg:$0x2] =	wrdreg s2  }
0xa9: {  	[dreg:$0x3] =	wrdreg s4  }
0xaa: {  	[dreg:$0x4] =	wrdreg $0xC0  }
0xab: {  	_ =	task [dreg:s6], $0x5FFFF  }
0xac: {  	[dreg:$0x1] =	wrdreg $0xFFFFFFFF  }
0xad: {  	[dreg:$0x0] =	wrdreg $0x60  }
0xae: {  	[dreg:$0x2] =	wrdreg s24  }
0xaf: {  	[dreg:$0x3] =	wrdreg $0xA8000  }
0xb0: {  	[dreg:$0x4] =	wrdreg $0x9  }
0xb1: {  	_ =	task.clear_ibuf [dreg:s6], $0x5FFFF;
	_ =	strace $0x90000052  }
0xb2: {  	s29 =	simm.s32 $0x9;
	_ =	strace $0x80000054  }
0xb3: {  	_ =	swait.ge [sflag:s29], $0x1  }
0xb4: {  	[sflag:s29] =	ssyncadd.s32 $0xFFFFFFFF  }
0xb5: {  	_ =	strace $0x90000054  }
0xb6: {  	_ =	sfence  }
0xb7: {  	s30 =	sld [smem:$0x0];
	_ =	sdelay $0x2  }
0xb8: {  	s31 =	sshll.u32 s1, $0xD;
	s1 =	sshrl.u32 s1, $0x2  }
0xb9: {  	s3 =	sand.u32 $0x4000, s31;
	s1 =	sadd.s32 s1, s30  }
0xba: {  	s0 =	sor.u32 s3, s0;
	s1 =	sshll.u32 s1, $0x11  }
0xbb: {  	s0 =	sor.u32 s1, s0  }
0xbc: {  	s0 =	sadd.s32 $0x8F2B, s0  }
0xbd: {  	[sflag:s0] =	ssyncadd.remote.s32 $0x1  }
0xbe: {  	_ =	sfence.sel $0xFFFF  }
0xbf: {  	[dreg:$0x0] =	wrdreg $0xFFFFFFFF;
	(pc) =	sbr.abs _section_cstart, $3  }
0xc0: {  	[dreg:$0x1] =	wrdreg $0xFFFFFFFF  }
0xc1: {  	_ =	task.clear_ibuf [dreg:s6], $0x2FFFF;
	_ =	strace $0x9FFFFFFF  }
0xc2: {  	(tm) =	ssettm $0x7FFFFFFF  }
0xc3: {  	_ =	shalt  }
tec
execute0_lowered:
.L_overlay_start_1:
0x0: {  	(tag) =	ssettag $0x1  }
0x1: {  	s6 =	rddreg [dreg:$0x0]  }
0x2: {  	s2 =	rddreg [dreg:$0x1]  }
0x3: {  	s0 =	rddreg [dreg:$0x2];
	s1 =	stileid.u32  }
0x4: {  	s4 =	srdreg.scid;
	s5 =	smul.u32 $0x38, s1  }
0x5: {  	s3 =	simm.s32 $0x0;
	s7 =	sand.u32 $0x1, s4;
	s4 =	smul.u32 $0x68, s1  }
0x6: {  	s15 =	simm.s32 $0x6800;
	s16 =	simm.s32 $0x1;
	s8 =	smul.u32 $0x2800, s1  }
0x7: {  	s17 =	simm.s32 $0x0;
	[smem:$0x7FF] =	sst s3;
	s11 =	smul.u32 $0x50000, s1  }
0x8: {  	s31 =	sshll.u32 s1, $0x6;
	p0 =	seq.s32 s7, $0x0;
	_ =	strace $0x80000053  }
0x9: {  	s9 =	smul.u32 $0x28000, s7;
	s7 =	ssub.s32 $0x2, s7;
	s5 =	sadd.s32 $0x680, s5  }
0xa: {  	s29 =	sshrl.u32 s7, $0x1;
	s30 =	sshrl.u32 s11, $0x2;
	s5 =	smov.u32 @p0 s4  }
0xb: {  	s4 =	sadd.s32 $0x1D000, s6;
	s8 =	sadd.s32 s8, s9;
	s13 =	ssub.s32 s7, s29  }
0xc: {  	s14 =	sadd.s32 s30, s2;
	s7 =	sor.u32 $0x1C02, s31;
	s5 =	sshll.u32 s5, $0x4  }
0xd: {  	s12 =	sadd.s32 s8, s6;
	s11 =	smax.u32 s13, $0x1;
	s13 =	simm.s32 $0x2  }
0xe: {  	s10 =	sadd.s32 s5, s6;
	s5 =	sadd.s32 $0x1A800, s6;
	s6 =	simm.s32 $0x68  }
0xf: {  	s6 =	simm.s32 @!p0 $0x38;
	s8 =	sadd.s32 $0x5800, s10;
	s9 =	sadd.s32 $0x10000, s10  }
0x10: {  	s10 =	sadd.s32 $0x6B400, s12;
	s12 =	sshrl.u32 s14, $0x3;
	s14 =	simm.s32 $0x80  }
.LBB2_1:
0x11: {  	[spmem:s12], [sflag:s7] =	dma.local [hbm:s5], $0x2800  }
0x12: {  	_ =	swait.ge [sflag:s13], $0x2800  }
0x13: {  	[sflag:s13] =	ssyncset.done $0x0  }
0x14: {  	[sflag:s13] =	ssyncadd.s32 $0xFFFFD800  }
0x15: {  	[tilespmem:s3], [sflag:$0x2] =	stream.linear.gather [hbm4b:s8+s3], $0x3400, $0x38;
	[tilespmem:$0x1E800] =	vst v63  }
0x16: {  	_ =	swait.ge [sflag:s13], $0x3400  }
0x17: {  	[sflag:s13] =	ssyncset.done $0x0  }
0x18: {  	s18 =	simm.s32 $0x3400;
	[sflag:s13] =	ssyncadd.s32 $0xFFFFCC00  }
0x19: {  	[tilespmem:s18], [sflag:$0x2] =	stream.linear.gather [hbm4b:s9+s3], $0x3400, $0x38;
	[tilespmem:$0x1E800] =	vst v63  }
0x1a: {  	_ =	swait.ge [sflag:s13], $0x3400  }
0x1b: {  	[sflag:s13] =	ssyncset.done $0x0  }
0x1c: {  	[sflag:s13] =	ssyncadd.s32 $0xFFFFCC00  }
0x1d: {  	[bflag:$0x0] =	sbarrier.arrive $0xFFFF  }
0x1e: {  	[tilespmem:s15], [sflag:$0x1] =	stream.indirect.gather [hbm4b:s4+s14], $0x80, s3, s14, $0xb8;
	[tilespmem:$0x1E800] =	vst v63  }
0x1f: {  	p0 =	sne.s32 s6, $0x1;
	_ =	swait.ge [sflag:s16], $0x4000  }
.Ltmp0:
0x20: {  	[sflag:s16] =	ssyncset.done $0x0;
	(pc) =	sbr.rel @!p0 .LBB2_3-.Ltmp0, $4  }
0x21: {  	[sflag:s16] =	ssyncadd.s32 $0xFFFFC000  }
0x22: {  	[spmem:s2] =	stream.indirect.scatter.add.f32 [tilespmem:s15], [sflag:$0x2], $0x80, s18, s14, $0xb8;
	[tilespmem:$0x1E800] =	vst v63  }
0x23: {  	_ =	swait.ge [sflag:s13], $0x4000  }
0x24: {  	s19 =	sadd.s32 $0xFFFFFFFF, s6;
	s20 =	simm.s32 $0x0;
	[sflag:s13] =	ssyncset.done $0x0  }
.LBB2_2:
0x25: {  	[sflag:s13] =	ssyncadd.s32 $0xFFFFC000;
	s20 =	sadd.s32 $0x80, s20;
	s18 =	sadd.s32 $0x80, s18  }
0x26: {  	[tilespmem:s15], [sflag:$0x1] =	stream.indirect.gather [hbm4b:s4+s14], $0x80, s20, s14, $0xb8;
	[tilespmem:$0x1E800] =	vst v63  }
0x27: {  	p0 =	sne.s32 s19, $0x1;
	s19 =	sadd.s32 $0xFFFFFFFF, s19;
	_ =	swait.ge [sflag:s16], $0x4000  }
.Ltmp1:
0x28: {  	[sflag:s16] =	ssyncset.done $0x0;
	(pc) =	sbr.rel @p0 .LBB2_2-.Ltmp1, $4  }
0x29: {  	[sflag:s16] =	ssyncadd.s32 $0xFFFFC000  }
0x2a: {  	[spmem:s2] =	stream.indirect.scatter.add.f32 [tilespmem:s15], [sflag:$0x2], $0x80, s18, s14, $0xb8;
	[tilespmem:$0x1E800] =	vst v63  }
0x2b: {  	_ =	swait.ge [sflag:s13], $0x4000  }
0x2c: {  	[sflag:s13] =	ssyncset.done $0x0  }
.LBB2_3:
0x2d: {  	s17 =	sadd.s32 $0x1, s17  }
0x2e: {  	[sflag:s13] =	ssyncadd.s32 $0xFFFFC000;
	p0 =	sne.s32 s17, s11  }
.Ltmp2:
0x2f: {  	[bflag:$0x0] =	sbarrier.arrive $0xFFFF;
	(pc) =	sbr.rel @p0 .LBB2_1-.Ltmp2, $4  }
0x30: {  	[hbm:s10], [sflag:s7] =	dma.local [spmem:s12], $0x2800  }
0x31: {  	_ =	swait.ge [sflag:s13], $0x2800  }
0x32: {  	[sflag:s13] =	ssyncset.done $0x0  }
0x33: {  	[sflag:s13] =	ssyncadd.s32 $0xFFFFD800  }
0x34: {  	_ =	sfence.sel $0x180000  }
0x35: {  	[bflag:$0x0] =	sbarrier.arrive $0xFFFF  }
0x36: {  	p0 =	sne.s32 s1, $0x0;
	_ =	strace $0x90000053  }
0x37: {  	s0 =	sadd.s32 @!p0 $0x100000, s0;
	[bflag:$0x2] =	sbarrier.arrive $0xFFFF  }
0x38: {  	[sflag:s0] =	ssyncadd.tile.s32 @!p0 $0x1;
	_ =	shalt  }
.Lfunc_end2:
_tile_overlayer_lowered:
.L_overlay_start_2:
0x39: {  	(tag) =	ssettag $0x2  }
0x3a: {  	s0 =	rddreg [dreg:$0x0];
	s2 =	stileid.u32  }
0x3b: {  	s1 =	rddreg [dreg:$0x1];
	p0 =	sne.s32 s2, $0x0  }
0x3c: {  	s3 =	rddreg [dreg:$0x2];
	[bflag:$0x3] =	sbarrier.arrive $0xFFFF;
	s2 =	simm.s32 @!p0 $0x1C02  }
0x3d: {  	[timem:s3], [sflag:s2] =	dma.local @!p0 [hbm:s0], s1  }
0x3e: {  	s0 =	simm.s32 @!p0 $0x2  }
0x3f: {  	_ =	swait.ge @!p0 [sflag:s0], s1  }
0x40: {  	s1 =	ssub.s32 @!p0 $0x0, s1;
	[sflag:s0] =	ssyncset.done @!p0 $0x0  }
0x41: {  	[sflag:s0] =	ssyncadd.s32 @!p0 s1  }
0x42: {  	[bflag:$0x3] =	sbarrier.arrive $0xFFFF  }
0x43: {  	_ =	shalt  }

</sc_bundles>
